<compile_context>
chip_gen: v7x
topology: tpu7x:2x2x1
jax: 0.10.2.dev20260603
libtpu: 0.0.44.dev20260713+nightly
codegen_flags: <defaults>
</compile_context>

<pallas_src>
import functools

import jax
import jax.numpy as jnp
from jax import lax
from jax.experimental import pallas as pl
from jax.experimental.pallas import tpu as pltpu
from jax.experimental.pallas import tpu_sc as plsc

_NUM_TOKEN_ID = 5
_NC, _NS, _L = 2, 16, 16
_NW = _NC * _NS
_R = 24
_LN2 = 0.6931471805599453


def _log1p16(x):
  y = x + 1.0
  bits = lax.bitcast_convert_type(y, jnp.int32)
  ex = (lax.shift_right_logical(bits, 23) - 127).astype(jnp.float32)
  m = lax.bitcast_convert_type(
      (bits & jnp.int32(0x007FFFFF)) | jnp.int32(0x3F800000), jnp.float32)
  t = (m - 1.0) / (m + 1.0)
  t2 = t * t
  s = 1.0 / 9.0 + t2 * 0.0
  s = s * t2 + 1.0 / 7.0
  s = s * t2 + 1.0 / 5.0
  s = s * t2 + 1.0 / 3.0
  s = s * t2 + 1.0
  return ex * _LN2 + 2.0 * t * s


def _sc_kernel(N, H, S_dim):
  tok_w = N // _NW
  assert S_dim % tok_w == 0
  nbig = tok_w // _R
  tail = tok_w - nbig * _R
  mesh = plsc.VectorSubcoreMesh(
      core_axis_name="c", subcore_axis_name="s",
      num_cores=_NC, num_subcores=_NS)

  @functools.partial(
      pl.kernel,
      out_type=jax.ShapeDtypeStruct((N, H), jnp.float32),
      mesh=mesh,
      scratch_types=[
          pltpu.VMEM((tok_w + _L,), jnp.int32),
          pltpu.VMEM((tok_w + _L,), jnp.float32),
          pltpu.VMEM((H,), jnp.float32),
          pltpu.VMEM((_R, H), jnp.float32),
          pltpu.VMEM((_R, H), jnp.float32),
          pltpu.SemaphoreType.DMA,
          pltpu.SemaphoreType.DMA,
          pltpu.SemaphoreType.DMA,
          pltpu.SemaphoreType.DMA,
          pltpu.SemaphoreType.DMA,
      ],
  )
  def body(ids_hbm, vals_hbm, table_hbm, dir_hbm, out_hbm,
           idx_v, vals_v, dir_v, buf0, buf1, gsem0, gsem1, ssem0, ssem1, psem):
    bufs = (buf0, buf1)
    gsems = (gsem0, gsem1)
    ssems = (ssem0, ssem1)
    wid = lax.axis_index("s") * _NC + lax.axis_index("c")
    base = pl.multiple_of(wid * tok_w, 8)
    b_row = base // S_dim
    s_col = pl.multiple_of(base % S_dim, 8)
    pltpu.sync_copy(ids_hbm.at[b_row, pl.ds(s_col, tok_w)],
                    idx_v.at[pl.ds(0, tok_w)])
    vcp = pltpu.async_copy(vals_hbm.at[b_row, pl.ds(s_col, tok_w)],
                           vals_v.at[pl.ds(0, tok_w)], psem)
    dcp = pltpu.async_copy(dir_hbm, dir_v, psem)

    def start_gather(off, rows, p):
      pltpu.async_copy(table_hbm.at[idx_v.at[pl.ds(off, rows)]],
                       bufs[p].at[pl.ds(0, rows)], gsems[p])

    def wait_gather(rows, p):
      pltpu.make_async_copy(table_hbm.at[idx_v.at[pl.ds(0, rows)]],
                            bufs[p].at[pl.ds(0, rows)], gsems[p]).wait()

    def start_scatter(off, rows, p):
      pltpu.async_copy(bufs[p].at[pl.ds(0, rows)],
                       out_hbm.at[pl.ds(base + off, rows)], ssems[p])

    def wait_scatter(rows, p):
      pltpu.make_async_copy(bufs[p].at[pl.ds(0, rows)],
                            out_hbm.at[pl.ds(base, rows)], ssems[p]).wait()

    def fma_rows(off, rows, p):
      buf_ref = bufs[p]

      def row_body(r, _):
        id_r = idx_v[pl.ds(off + r, _L)][0]

        @pl.when(id_r == _NUM_TOKEN_ID)
        def _():
          v16 = vals_v[pl.ds(off + r, _L)]
          c16 = jnp.sign(v16) * _log1p16(jnp.abs(v16))
          c_r = c16[0]
          cb = jnp.full((_L,), c_r, jnp.float32)

          def col_body(jj, _):
            sl = pl.ds(jj * _L, _L)
            buf_ref[r, sl] = buf_ref[r, sl] + cb * dir_v[sl]
            return ()
          lax.fori_loop(0, H // _L, col_body, ())
        return ()

      lax.fori_loop(0, rows, row_body, ())

    start_gather(0, _R, 0)
    start_gather(_R, _R, 1)
    vcp.wait()
    dcp.wait()

    npair = nbig // 2

    def pair_body(k, _):
      off0 = pl.multiple_of(k * (2 * _R), 8)
      wait_gather(_R, 0)
      fma_rows(off0, _R, 0)
      start_scatter(off0, _R, 0)
      wait_scatter(_R, 0)
      start_gather(off0 + 2 * _R, _R, 0)
      off1 = off0 + _R
      wait_gather(_R, 1)
      fma_rows(off1, _R, 1)
      start_scatter(off1, _R, 1)

      @pl.when(k + 1 < npair)
      def _():
        wait_scatter(_R, 1)
        start_gather(off1 + 2 * _R, _R, 1)
      return ()

    lax.fori_loop(0, npair, pair_body, ())

    off20 = (nbig - 1) * _R
    wait_gather(_R, 0)
    fma_rows(off20, _R, 0)
    start_scatter(off20, _R, 0)
    wait_scatter(_R, 1)
    start_gather(nbig * _R, tail, 1)
    wait_gather(tail, 1)
    fma_rows(nbig * _R, tail, 1)
    start_scatter(nbig * _R, tail, 1)
    wait_scatter(_R, 0)
    wait_scatter(tail, 1)

  return body


def kernel(input_ids, numerical_values, embedding_table, numerical_direction):
  B, S = input_ids.shape
  V, H = embedding_table.shape
  N = B * S
  ids = input_ids.astype(jnp.int32)
  vals = numerical_values.astype(jnp.float32)
  out = _sc_kernel(N, H, S)(ids, vals, embedding_table, numerical_direction)
  return out.reshape(B, S, H)

# --- scband reference (transcript-rebuilt; emitter-appended) ---
"""Pipeline reference for scband-numerical-aware-embedding-27023934226556 (READ-ONLY COPY).

The authoritative reference and input builder live on the scoring server;
editing this copy changes nothing except your own understanding.
"""

import jax, jax.numpy as jnp
import numpy as np
import math

VOCAB = 32000
HIDDEN = 2048
NUM_TOKEN_ID = 5
B, S = 4, 4096

def setup_inputs(seed: int = 0) -> dict:
    key = jax.random.key(seed)
    k1, k2, k3, k4 = jax.random.split(key, 4)
    input_ids = jax.random.randint(k1, (B, S), 0, VOCAB, dtype=jnp.int64) if jax.config.jax_enable_x64 else jax.random.randint(k1, (B, S), 0, VOCAB, dtype=jnp.int32)
    numerical_values = jax.random.normal(k2, (B, S), dtype=jnp.float32) * 10.0
    embedding_table = jax.random.normal(k3, (VOCAB, HIDDEN), dtype=jnp.float32) * 0.02
    numerical_direction = jax.random.normal(k4, (HIDDEN,), dtype=jnp.float32) / math.sqrt(HIDDEN)
    return {
        "input_ids": input_ids,
        "numerical_values": numerical_values,
        "embedding_table": embedding_table,
        "numerical_direction": numerical_direction,
    }

def reference(input_ids, numerical_values, embedding_table, numerical_direction):
    # embedding lookup (gather)
    base_embeddings = jnp.take(embedding_table, input_ids, axis=0)  # [B, S, H]
    # mask where token == <NUM>
    num_mask = (input_ids == NUM_TOKEN_ID).astype(jnp.float32)[..., None]  # [B, S, 1]
    # signed log1p transform of numerical values
    transformed_values = jnp.sign(numerical_values) * jnp.log1p(jnp.abs(numerical_values))  # [B, S]
    # project scalar onto learned direction
    phi_v = transformed_values[..., None] * numerical_direction  # [B, S, H]
    numerical_encoding = phi_v * num_mask
    enhanced_embeddings = base_embeddings + numerical_encoding
    return enhanced_embeddings

if __name__ == "__main__":
    import jax
    _d = setup_inputs()
    print(jax.jit(kernel)(*tuple(_d.values())))

</pallas_src>

<mosaic_0001>
#map = affine_map<(d0, d1) -> (0, 0)>
#map1 = affine_map<(d0, d1) -> (0)>
module attributes {stable_mosaic.version = 14 : i64} {
  func.func @body(%arg0: i32, %arg1: i32, %arg2: memref<4x4096xi32, #tpu.memory_space<hbm>>, %arg3: memref<4x4096xf32, #tpu.memory_space<hbm>>, %arg4: memref<32000x2048xf32, #tpu.memory_space<hbm>>, %arg5: memref<2048xf32, #tpu.memory_space<hbm>>, %arg6: memref<16384x2048xf32, #tpu.memory_space<hbm>>, %arg7: memref<528xi32, #tpu.memory_space<vmem>>, %arg8: memref<528xf32, #tpu.memory_space<vmem>>, %arg9: memref<2048xf32, #tpu.memory_space<vmem>>, %arg10: memref<24x2048xf32, #tpu.memory_space<vmem>>, %arg11: memref<24x2048xf32, #tpu.memory_space<vmem>>, %arg12: memref<!tpu.dma_semaphore, #tpu.memory_space<semaphore_mem>>, %arg13: memref<!tpu.dma_semaphore, #tpu.memory_space<semaphore_mem>>, %arg14: memref<!tpu.dma_semaphore, #tpu.memory_space<semaphore_mem>>, %arg15: memref<!tpu.dma_semaphore, #tpu.memory_space<semaphore_mem>>, %arg16: memref<!tpu.dma_semaphore, #tpu.memory_space<semaphore_mem>>) attributes {dimension_semantics = [#tpu.dimension_semantics<core_parallel>, #tpu.dimension_semantics<subcore_parallel>], iteration_bounds = array<i64: 2, 16>, scalar_prefetch = 0 : i64, scratch_operands = 10 : i64, tpu.core_type = #tpu.core_type<sc_vector_subcore>, window_params = [{transform_indices = #map}, {transform_indices = #map}, {transform_indices = #map}, {transform_indices = #map1}, {transform_indices = #map}]} {
    %mul3A = arith.constant 2 : i32
    %mul3A_0 = arith.muli %arg1, %mul3A : i32
    %add3A = arith.addi %mul3A_0, %arg0 : i32
    %mul3A_1 = arith.constant 512 : i32
    %mul3A_2 = arith.muli %add3A, %mul3A_1 : i32
    %multiple_of3A = tpu.assume_multiple %mul3A_2, 8 : i32
    %jit3A = arith.constant 4096 : i32
    %div3A = arith.divsi %multiple_of3A, %jit3A : i32
    %sign3A = arith.constant 0 : i32
    %sign3A_3 = arith.cmpi sgt, %multiple_of3A, %sign3A : i32
    %sign3A_4 = arith.extui %sign3A_3 : i1 to i32
    %sign3A_5 = arith.constant 0 : i32
    %sign3A_6 = arith.cmpi slt, %multiple_of3A, %sign3A_5 : i32
    %sign3A_7 = arith.extui %sign3A_6 : i1 to i32
    %sign3A_8 = arith.subi %sign3A_4, %sign3A_7 : i32
    %sign3A_9 = arith.constant 0 : i32
    %sign3A_10 = arith.cmpi sgt, %jit3A, %sign3A_9 : i32
    %sign3A_11 = arith.extui %sign3A_10 : i1 to i32
    %sign3A_12 = arith.constant 0 : i32
    %sign3A_13 = arith.cmpi slt, %jit3A, %sign3A_12 : i32
    %sign3A_14 = arith.extui %sign3A_13 : i1 to i32
    %sign3A_15 = arith.subi %sign3A_11, %sign3A_14 : i32
    %ne3A = arith.cmpi ne, %sign3A_8, %sign3A_15 : i32
    %rem3A = arith.remsi %multiple_of3A, %jit3A : i32
    %ne3A_16 = arith.constant 0 : i32
    %ne3A_17 = arith.cmpi ne, %rem3A, %ne3A_16 : i32
    %and3A = arith.andi %ne3A, %ne3A_17 : i1
    %sub3A = arith.constant 1 : i32
    %sub3A_18 = arith.subi %div3A, %sub3A : i32
    %select_n3A = arith.select %and3A, %sub3A_18, %div3A : i32
    %jit3A_19 = arith.constant 4096 : i32
    %eq3A = arith.constant 0 : i32
    %eq3A_20 = arith.cmpi eq, %jit3A_19, %eq3A : i32
    %jit3A_21 = arith.constant 1 : i32
    %select_n3A_22 = arith.select %eq3A_20, %jit3A_21, %jit3A_19 : i32
    %rem3A_23 = arith.remsi %multiple_of3A, %select_n3A_22 : i32
    %ne3A_24 = arith.constant 0 : i32
    %ne3A_25 = arith.cmpi ne, %rem3A_23, %ne3A_24 : i32
    %lt3A = arith.constant 0 : i32
    %lt3A_26 = arith.cmpi slt, %rem3A_23, %lt3A : i32
    %lt3A_27 = arith.constant 0 : i32
    %lt3A_28 = arith.cmpi slt, %select_n3A_22, %lt3A_27 : i32
    %ne3A_29 = arith.xori %lt3A_26, %lt3A_28 : i1
    %and3A_30 = arith.andi %ne3A_29, %ne3A_25 : i1
    %add3A_31 = arith.addi %rem3A_23, %select_n3A_22 : i32
    %select_n3A_32 = arith.select %and3A_30, %add3A_31, %rem3A_23 : i32
    %multiple_of3A_33 = tpu.assume_multiple %select_n3A_32, 8 : i32
    "tpu.region"() ({
      %run_scoped3A = tpu.sem_alloc : memref<!tpu.dma_semaphore, #tpu.memory_space<semaphore_mem>>
      %dma_start3A_156 = arith.constant 0 : i32
      %dma_start3A_157 = tpu.memref_slice %arg7[%dma_start3A_156] : memref<528xi32, #tpu.memory_space<vmem>> -> memref<512xi32, #tpu.memory_space<vmem>>
      %dma_start3A_158 = tpu.memref_slice %arg2[%select_n3A, %multiple_of3A_33] : memref<4x4096xi32, #tpu.memory_space<hbm>> -> memref<1x512xi32, #tpu.memory_space<hbm>>
      %dma_start3A_159 = tpu.memref_squeeze %dma_start3A_158 : memref<1x512xi32, #tpu.memory_space<hbm>> -> memref<512xi32, #tpu.memory_space<hbm>>
      %dma_start3A_160 = arith.constant 0 : i32
      %dma_start3A_161 = tpu.memref_slice %arg7[%dma_start3A_160] : memref<528xi32, #tpu.memory_space<vmem>> -> memref<512xi32, #tpu.memory_space<vmem>>
      %dma_start3A_162 = tpu.memref_slice %arg2[%select_n3A, %multiple_of3A_33] : memref<4x4096xi32, #tpu.memory_space<hbm>> -> memref<1x512xi32, #tpu.memory_space<hbm>>
      %dma_start3A_163 = tpu.memref_squeeze %dma_start3A_162 : memref<1x512xi32, #tpu.memory_space<hbm>> -> memref<512xi32, #tpu.memory_space<hbm>>
      tpu.enqueue_dma source(%dma_start3A_163 : memref<512xi32, #tpu.memory_space<hbm>>) target(%dma_start3A_161 : memref<512xi32, #tpu.memory_space<vmem>>) target_semaphore(%run_scoped3A : memref<!tpu.dma_semaphore, #tpu.memory_space<semaphore_mem>>)
      %dma_wait3A_164 = arith.constant 0 : i32
      %dma_wait3A_165 = tpu.memref_slice %arg7[%dma_wait3A_164] : memref<528xi32, #tpu.memory_space<vmem>> -> memref<512xi32, #tpu.memory_space<vmem>>
      %dma_wait3A_166 = tpu.memref_slice %arg2[%select_n3A, %multiple_of3A_33] : memref<4x4096xi32, #tpu.memory_space<hbm>> -> memref<1x512xi32, #tpu.memory_space<hbm>>
      %dma_wait3A_167 = tpu.memref_squeeze %dma_wait3A_166 : memref<1x512xi32, #tpu.memory_space<hbm>> -> memref<512xi32, #tpu.memory_space<hbm>>
      %dma_wait3A_168 = arith.constant 0 : i32
      %dma_wait3A_169 = tpu.memref_slice %arg7[%dma_wait3A_168] : memref<528xi32, #tpu.memory_space<vmem>> -> memref<512xi32, #tpu.memory_space<vmem>>
      %dma_wait3A_170 = tpu.memref_slice %arg2[%select_n3A, %multiple_of3A_33] : memref<4x4096xi32, #tpu.memory_space<hbm>> -> memref<1x512xi32, #tpu.memory_space<hbm>>
      %dma_wait3A_171 = tpu.memref_squeeze %dma_wait3A_170 : memref<1x512xi32, #tpu.memory_space<hbm>> -> memref<512xi32, #tpu.memory_space<hbm>>
      tpu.wait_dma2 semaphore(%run_scoped3A : memref<!tpu.dma_semaphore, #tpu.memory_space<semaphore_mem>>) src(%dma_wait3A_171 : memref<512xi32, #tpu.memory_space<hbm>>) dst(%dma_wait3A_169 : memref<512xi32, #tpu.memory_space<vmem>>)
      tpu.yield
    }) : () -> ()
    %dma_start3A = arith.constant 0 : i32
    %dma_start3A_34 = tpu.memref_slice %arg8[%dma_start3A] : memref<528xf32, #tpu.memory_space<vmem>> -> memref<512xf32, #tpu.memory_space<vmem>>
    %dma_start3A_35 = tpu.memref_slice %arg3[%select_n3A, %multiple_of3A_33] : memref<4x4096xf32, #tpu.memory_space<hbm>> -> memref<1x512xf32, #tpu.memory_space<hbm>>
    %dma_start3A_36 = tpu.memref_squeeze %dma_start3A_35 : memref<1x512xf32, #tpu.memory_space<hbm>> -> memref<512xf32, #tpu.memory_space<hbm>>
    %dma_start3A_37 = arith.constant 0 : i32
    %dma_start3A_38 = tpu.memref_slice %arg8[%dma_start3A_37] : memref<528xf32, #tpu.memory_space<vmem>> -> memref<512xf32, #tpu.memory_space<vmem>>
    %dma_start3A_39 = tpu.memref_slice %arg3[%select_n3A, %multiple_of3A_33] : memref<4x4096xf32, #tpu.memory_space<hbm>> -> memref<1x512xf32, #tpu.memory_space<hbm>>
    %dma_start3A_40 = tpu.memref_squeeze %dma_start3A_39 : memref<1x512xf32, #tpu.memory_space<hbm>> -> memref<512xf32, #tpu.memory_space<hbm>>
    tpu.enqueue_dma source(%dma_start3A_40 : memref<512xf32, #tpu.memory_space<hbm>>) target(%dma_start3A_38 : memref<512xf32, #tpu.memory_space<vmem>>) target_semaphore(%arg16 : memref<!tpu.dma_semaphore, #tpu.memory_space<semaphore_mem>>)
    tpu.enqueue_dma source(%arg5 : memref<2048xf32, #tpu.memory_space<hbm>>) target(%arg9 : memref<2048xf32, #tpu.memory_space<vmem>>) target_semaphore(%arg16 : memref<!tpu.dma_semaphore, #tpu.memory_space<semaphore_mem>>)
    %dma_start3A_41 = arith.constant 0 : i32
    %dma_start3A_42 = arith.constant 0 : i32
    %dma_start3A_43 = tpu.memref_slice %arg10[%dma_start3A_41, %dma_start3A_42] : memref<24x2048xf32, #tpu.memory_space<vmem>> -> memref<24x2048xf32, #tpu.memory_space<vmem>>
    %dma_start3A_44 = arith.constant 0 : i32
    %dma_start3A_45 = tpu.memref_slice %arg7[%dma_start3A_44] : memref<528xi32, #tpu.memory_space<vmem>> -> memref<24xi32, #tpu.memory_space<vmem>>
    %dma_start3A_46 = arith.constant 0 : i32
    %dma_start3A_47 = arith.constant 0 : i32
    %dma_start3A_48 = tpu.memref_slice %arg4[%dma_start3A_46, %dma_start3A_47] : memref<32000x2048xf32, #tpu.memory_space<hbm>> -> memref<32000x2048xf32, #tpu.memory_space<hbm>>
    tpu.enqueue_indirect_dma source(%dma_start3A_48 : memref<32000x2048xf32, #tpu.memory_space<hbm>>) target(%dma_start3A_43 : memref<24x2048xf32, #tpu.memory_space<vmem>>) offsets(%dma_start3A_45 : memref<24xi32, #tpu.memory_space<vmem>>) semaphore(%arg12 : memref<!tpu.dma_semaphore, #tpu.memory_space<semaphore_mem>>)
    %dma_start3A_49 = arith.constant 0 : i32
    %dma_start3A_50 = arith.constant 0 : i32
    %dma_start3A_51 = tpu.memref_slice %arg11[%dma_start3A_49, %dma_start3A_50] : memref<24x2048xf32, #tpu.memory_space<vmem>> -> memref<24x2048xf32, #tpu.memory_space<vmem>>
    %dma_start3A_52 = arith.constant 24 : i32
    %dma_start3A_53 = tpu.memref_slice %arg7[%dma_start3A_52] : memref<528xi32, #tpu.memory_space<vmem>> -> memref<24xi32, #tpu.memory_space<vmem>>
    %dma_start3A_54 = arith.constant 0 : i32
    %dma_start3A_55 = arith.constant 0 : i32
    %dma_start3A_56 = tpu.memref_slice %arg4[%dma_start3A_54, %dma_start3A_55] : memref<32000x2048xf32, #tpu.memory_space<hbm>> -> memref<32000x2048xf32, #tpu.memory_space<hbm>>
    tpu.enqueue_indirect_dma source(%dma_start3A_56 : memref<32000x2048xf32, #tpu.memory_space<hbm>>) target(%dma_start3A_51 : memref<24x2048xf32, #tpu.memory_space<vmem>>) offsets(%dma_start3A_53 : memref<24xi32, #tpu.memory_space<vmem>>) semaphore(%arg13 : memref<!tpu.dma_semaphore, #tpu.memory_space<semaphore_mem>>)
    %dma_wait3A = arith.constant 0 : i32
    %dma_wait3A_57 = tpu.memref_slice %arg8[%dma_wait3A] : memref<528xf32, #tpu.memory_space<vmem>> -> memref<512xf32, #tpu.memory_space<vmem>>
    %dma_wait3A_58 = tpu.memref_slice %arg3[%select_n3A, %multiple_of3A_33] : memref<4x4096xf32, #tpu.memory_space<hbm>> -> memref<1x512xf32, #tpu.memory_space<hbm>>
    %dma_wait3A_59 = tpu.memref_squeeze %dma_wait3A_58 : memref<1x512xf32, #tpu.memory_space<hbm>> -> memref<512xf32, #tpu.memory_space<hbm>>
    %dma_wait3A_60 = arith.constant 0 : i32
    %dma_wait3A_61 = tpu.memref_slice %arg8[%dma_wait3A_60] : memref<528xf32, #tpu.memory_space<vmem>> -> memref<512xf32, #tpu.memory_space<vmem>>
    %dma_wait3A_62 = tpu.memref_slice %arg3[%select_n3A, %multiple_of3A_33] : memref<4x4096xf32, #tpu.memory_space<hbm>> -> memref<1x512xf32, #tpu.memory_space<hbm>>
    %dma_wait3A_63 = tpu.memref_squeeze %dma_wait3A_62 : memref<1x512xf32, #tpu.memory_space<hbm>> -> memref<512xf32, #tpu.memory_space<hbm>>
    tpu.wait_dma2 semaphore(%arg16 : memref<!tpu.dma_semaphore, #tpu.memory_space<semaphore_mem>>) src(%dma_wait3A_63 : memref<512xf32, #tpu.memory_space<hbm>>) dst(%dma_wait3A_61 : memref<512xf32, #tpu.memory_space<vmem>>)
    tpu.wait_dma2 semaphore(%arg16 : memref<!tpu.dma_semaphore, #tpu.memory_space<semaphore_mem>>) src(%arg5 : memref<2048xf32, #tpu.memory_space<hbm>>) dst(%arg9 : memref<2048xf32, #tpu.memory_space<vmem>>)
    %scan3A = arith.constant 0 : i32
    %scan3A_64 = arith.constant 10 : i32
    %scan3A_65 = arith.addi %scan3A, %scan3A_64 : i32
    %scan3A_66 = arith.constant 1 : i32
    scf.for %scan3A_156 = %scan3A to %scan3A_65 step %scan3A_66  : i32 {
      %mul3A_157 = arith.constant 48 : i32
      %mul3A_158 = arith.muli %scan3A_156, %mul3A_157 : i32
      %multiple_of3A_159 = tpu.assume_multiple %mul3A_158, 8 : i32
      %dma_wait3A_160 = arith.constant 0 : i32
      %dma_wait3A_161 = arith.constant 0 : i32
      %dma_wait3A_162 = tpu.memref_slice %arg10[%dma_wait3A_160, %dma_wait3A_161] : memref<24x2048xf32, #tpu.memory_space<vmem>> -> memref<24x2048xf32, #tpu.memory_space<vmem>>
      %dma_wait3A_163 = arith.constant 0 : i32
      %dma_wait3A_164 = tpu.memref_slice %arg7[%dma_wait3A_163] : memref<528xi32, #tpu.memory_space<vmem>> -> memref<24xi32, #tpu.memory_space<vmem>>
      %dma_wait3A_165 = arith.constant 0 : i32
      %dma_wait3A_166 = arith.constant 0 : i32
      %dma_wait3A_167 = tpu.memref_slice %arg4[%dma_wait3A_165, %dma_wait3A_166] : memref<32000x2048xf32, #tpu.memory_space<hbm>> -> memref<32000x2048xf32, #tpu.memory_space<hbm>>
      tpu.wait_indirect_dma semaphore(%arg12 : memref<!tpu.dma_semaphore, #tpu.memory_space<semaphore_mem>>) src(%dma_wait3A_167 : memref<32000x2048xf32, #tpu.memory_space<hbm>>) dst(%dma_wait3A_162 : memref<24x2048xf32, #tpu.memory_space<vmem>>)
      %scan3A_168 = arith.constant 0 : i32
      %scan3A_169 = arith.constant 24 : i32
      %scan3A_170 = arith.addi %scan3A_168, %scan3A_169 : i32
      %scan3A_171 = arith.constant 1 : i32
      scf.for %scan3A_234 = %scan3A_168 to %scan3A_170 step %scan3A_171  : i32 {
        %add3A_235 = arith.addi %multiple_of3A_159, %scan3A_234 : i32
        %get3A = arith.index_cast %add3A_235 : i32 to index
        %get3A_236 = tpu.vector_load %arg7[%get3A] {strides = array<i32>} : memref<528xi32, #tpu.memory_space<vmem>>, vector<16xi32>,
        %get3A_237 = vector.shape_cast %get3A_236 : vector<16xi32> to vector<16xi32>
        %slice3A = vector.extract_strided_slice %get3A_237 {offsets = [0], sizes = [1], strides = [1]} : vector<16xi32> to vector<1xi32>
        %squeeze3A = vector.extract %slice3A[0] : i32 from vector<1xi32>
        %eq3A_238 = arith.constant 5 : i32
        %eq3A_239 = arith.cmpi eq, %squeeze3A, %eq3A_238 : i32
        %convert_element_type3A_240 = arith.extui %eq3A_239 : i1 to i32
        %cond3A_241 = arith.constant 0 : i32
        %cond3A_242 = arith.cmpi ne, %convert_element_type3A_240, %cond3A_241 : i32
        scf.if %cond3A_242 {
          %add3A_243 = arith.addi %multiple_of3A_159, %scan3A_234 : i32
          %get3A_244 = arith.index_cast %add3A_243 : i32 to index
          %get3A_245 = tpu.vector_load %arg8[%get3A_244] {strides = array<i32>} : memref<528xf32, #tpu.memory_space<vmem>>, vector<16xf32>,
          %get3A_246 = vector.shape_cast %get3A_245 : vector<16xf32> to vector<16xf32>
          %sign3A_247 = tpu.bitcast %get3A_246 : vector<16xf32> -> vector<16xi32>
          %sign3A_248 = arith.constant -2147483648 : i32
          %sign3A_249 = vector.broadcast %sign3A_248 : i32 to vector<16xi32>
          %sign3A_250 = arith.andi %sign3A_247, %sign3A_249 : vector<16xi32>
          %sign3A_251 = arith.constant 1065353216 : i32
          %sign3A_252 = vector.broadcast %sign3A_251 : i32 to vector<16xi32>
          %sign3A_253 = arith.ori %sign3A_252, %sign3A_250 : vector<16xi32>
          %sign3A_254 = tpu.bitcast %sign3A_253 : vector<16xi32> -> vector<16xf32>
          %sign3A_255 = math.absf %get3A_246 : vector<16xf32>
          %sign3A_256 = arith.constant 0.000000e+00 : f32
          %sign3A_257 = vector.broadcast %sign3A_256 : f32 to vector<16xf32>
          %sign3A_258 = arith.cmpf ogt, %sign3A_255, %sign3A_257 : vector<16xf32>
          %sign3A_259 = arith.select %sign3A_258, %sign3A_254, %get3A_246 : vector<16xi1>, vector<16xf32>
          %abs3A = math.absf %get3A_246 : vector<16xf32>
          %add3A_260 = arith.constant 1.000000e+00 : f32
          %add3A_261 = vector.broadcast %add3A_260 : f32 to vector<16xf32>
          %add3A_262 = arith.addf %abs3A, %add3A_261 : vector<16xf32>
          %bitcast_convert_type3A = tpu.bitcast %add3A_262 : vector<16xf32> -> vector<16xi32>
          %shift_right_logical3A = arith.constant 23 : i32
          %shift_right_logical3A_263 = vector.broadcast %shift_right_logical3A : i32 to vector<16xi32>
          %shift_right_logical3A_264 = arith.shrui %bitcast_convert_type3A, %shift_right_logical3A_263 : vector<16xi32>
          %sub3A_265 = arith.constant 127 : i32
          %sub3A_266 = vector.broadcast %sub3A_265 : i32 to vector<16xi32>
          %sub3A_267 = arith.subi %shift_right_logical3A_264, %sub3A_266 : vector<16xi32>
          %convert_element_type3A_268 = arith.sitofp %sub3A_267 : vector<16xi32> to vector<16xf32>
          %and3A_269 = arith.constant 8388607 : i32
          %and3A_270 = vector.broadcast %and3A_269 : i32 to vector<16xi32>
          %and3A_271 = arith.andi %bitcast_convert_type3A, %and3A_270 : vector<16xi32>
          %or3A = arith.constant 1065353216 : i32
          %or3A_272 = vector.broadcast %or3A : i32 to vector<16xi32>
          %or3A_273 = arith.ori %and3A_271, %or3A_272 : vector<16xi32>
          %bitcast_convert_type3A_274 = tpu.bitcast %or3A_273 : vector<16xi32> -> vector<16xf32>
          %sub3A_275 = arith.constant 1.000000e+00 : f32
          %sub3A_276 = vector.broadcast %sub3A_275 : f32 to vector<16xf32>
          %sub3A_277 = arith.subf %bitcast_convert_type3A_274, %sub3A_276 : vector<16xf32>
          %add3A_278 = arith.constant 1.000000e+00 : f32
          %add3A_279 = vector.broadcast %add3A_278 : f32 to vector<16xf32>
          %add3A_280 = arith.addf %bitcast_convert_type3A_274, %add3A_279 : vector<16xf32>
          %div3A_281 = arith.divf %sub3A_277, %add3A_280 : vector<16xf32>
          %mul3A_282 = arith.mulf %div3A_281, %div3A_281 : vector<16xf32>
          %mul3A_283 = arith.constant 0.000000e+00 : f32
          %mul3A_284 = vector.broadcast %mul3A_283 : f32 to vector<16xf32>
          %mul3A_285 = arith.mulf %mul3A_282, %mul3A_284 : vector<16xf32>
          %add3A_286 = arith.constant 0.111111112 : f32
          %add3A_287 = vector.broadcast %add3A_286 : f32 to vector<16xf32>
          %add3A_288 = arith.addf %add3A_287, %mul3A_285 : vector<16xf32>
          %mul3A_289 = arith.mulf %add3A_288, %mul3A_282 : vector<16xf32>
          %add3A_290 = arith.constant 0.142857149 : f32
          %add3A_291 = vector.broadcast %add3A_290 : f32 to vector<16xf32>
          %add3A_292 = arith.addf %mul3A_289, %add3A_291 : vector<16xf32>
          %mul3A_293 = arith.mulf %add3A_292, %mul3A_282 : vector<16xf32>
          %add3A_294 = arith.constant 2.000000e-01 : f32
          %add3A_295 = vector.broadcast %add3A_294 : f32 to vector<16xf32>
          %add3A_296 = arith.addf %mul3A_293, %add3A_295 : vector<16xf32>
          %mul3A_297 = arith.mulf %add3A_296, %mul3A_282 : vector<16xf32>
          %add3A_298 = arith.constant 0.333333343 : f32
          %add3A_299 = vector.broadcast %add3A_298 : f32 to vector<16xf32>
          %add3A_300 = arith.addf %mul3A_297, %add3A_299 : vector<16xf32>
          %mul3A_301 = arith.mulf %add3A_300, %mul3A_282 : vector<16xf32>
          %add3A_302 = arith.constant 1.000000e+00 : f32
          %add3A_303 = vector.broadcast %add3A_302 : f32 to vector<16xf32>
          %add3A_304 = arith.addf %mul3A_301, %add3A_303 : vector<16xf32>
          %mul3A_305 = arith.constant 0.693147182 : f32
          %mul3A_306 = vector.broadcast %mul3A_305 : f32 to vector<16xf32>
          %mul3A_307 = arith.mulf %convert_element_type3A_268, %mul3A_306 : vector<16xf32>
          %mul3A_308 = arith.constant 2.000000e+00 : f32
          %mul3A_309 = vector.broadcast %mul3A_308 : f32 to vector<16xf32>
          %mul3A_310 = arith.mulf %mul3A_309, %div3A_281 : vector<16xf32>
          %mul3A_311 = arith.mulf %mul3A_310, %add3A_304 : vector<16xf32>
          %add3A_312 = arith.addf %mul3A_307, %mul3A_311 : vector<16xf32>
          %mul3A_313 = arith.mulf %sign3A_259, %add3A_312 : vector<16xf32>
          %slice3A_314 = vector.extract_strided_slice %mul3A_313 {offsets = [0], sizes = [1], strides = [1]} : vector<16xf32> to vector<1xf32>
          %squeeze3A_315 = vector.extract %slice3A_314[0] : f32 from vector<1xf32>
          %broadcast_in_dim3A = vector.broadcast %squeeze3A_315 : f32 to vector<16xf32>
          %scan3A_316 = arith.constant 0 : i32
          %scan3A_317 = arith.constant 128 : i32
          %scan3A_318 = arith.addi %scan3A_316, %scan3A_317 : i32
          %scan3A_319 = arith.constant 1 : i32
          scf.for %scan3A_321 = %scan3A_316 to %scan3A_318 step %scan3A_319  : i32 {
            %mul3A_322 = arith.constant 16 : i32
            %mul3A_323 = arith.muli %scan3A_321, %mul3A_322 : i32
            %get3A_324 = arith.index_cast %scan3A_234 : i32 to index
            %get3A_325 = arith.index_cast %mul3A_323 : i32 to index
            %get3A_326 = tpu.vector_load %arg10[%get3A_324, %get3A_325] {strides = array<i32>} : memref<24x2048xf32, #tpu.memory_space<vmem>>, vector<1x16xf32>,
            %get3A_327 = vector.shape_cast %get3A_326 : vector<1x16xf32> to vector<16xf32>
            %get3A_328 = arith.index_cast %mul3A_323 : i32 to index
            %get3A_329 = tpu.vector_load %arg9[%get3A_328] {strides = array<i32>} : memref<2048xf32, #tpu.memory_space<vmem>>, vector<16xf32>,
            %get3A_330 = vector.shape_cast %get3A_329 : vector<16xf32> to vector<16xf32>
            %mul3A_331 = arith.mulf %broadcast_in_dim3A, %get3A_330 : vector<16xf32>
            %add3A_332 = arith.addf %get3A_327, %mul3A_331 : vector<16xf32>
            %swap3A = arith.index_cast %scan3A_234 : i32 to index
            %swap3A_333 = arith.index_cast %mul3A_323 : i32 to index
            %swap3A_334 = tpu.vector_load %arg10[%swap3A, %swap3A_333] {strides = array<i32>} : memref<24x2048xf32, #tpu.memory_space<vmem>>, vector<1x16xf32>,
            %swap3A_335 = vector.shape_cast %swap3A_334 : vector<1x16xf32> to vector<16xf32>
            %swap3A_336 = vector.shape_cast %add3A_332 : vector<16xf32> to vector<1x16xf32>
            tpu.vector_store %arg10[%swap3A, %swap3A_333], %swap3A_336 {strides = array<i32>} : memref<24x2048xf32, #tpu.memory_space<vmem>>, vector<1x16xf32>,
          }
          %scan3A_320 = arith.constant 128 : i32
        } else {
        }
      }
      %scan3A_172 = arith.constant 24 : i32
      %add3A_173 = arith.addi %multiple_of3A, %multiple_of3A_159 : i32
      %dma_start3A_174 = arith.constant 0 : i32
      %dma_start3A_175 = arith.constant 0 : i32
      %dma_start3A_176 = tpu.memref_slice %arg10[%dma_start3A_174, %dma_start3A_175] : memref<24x2048xf32, #tpu.memory_space<vmem>> -> memref<24x2048xf32, #tpu.memory_space<vmem>>
      %dma_start3A_177 = arith.constant 0 : i32
      %dma_start3A_178 = tpu.memref_slice %arg6[%add3A_173, %dma_start3A_177] : memref<16384x2048xf32, #tpu.memory_space<hbm>> -> memref<24x2048xf32, #tpu.memory_space<hbm>>
      %dma_start3A_179 = arith.constant 0 : i32
      %dma_start3A_180 = tpu.memref_slice %arg6[%add3A_173, %dma_start3A_179] : memref<16384x2048xf32, #tpu.memory_space<hbm>> -> memref<24x2048xf32, #tpu.memory_space<hbm>>
      %dma_start3A_181 = arith.constant 0 : i32
      %dma_start3A_182 = arith.constant 0 : i32
      %dma_start3A_183 = tpu.memref_slice %arg10[%dma_start3A_181, %dma_start3A_182] : memref<24x2048xf32, #tpu.memory_space<vmem>> -> memref<24x2048xf32, #tpu.memory_space<vmem>>
      tpu.enqueue_dma source(%dma_start3A_183 : memref<24x2048xf32, #tpu.memory_space<vmem>>) target(%dma_start3A_180 : memref<24x2048xf32, #tpu.memory_space<hbm>>) target_semaphore(%arg14 : memref<!tpu.dma_semaphore, #tpu.memory_space<semaphore_mem>>)
      %dma_wait3A_184 = arith.constant 0 : i32
      %dma_wait3A_185 = arith.constant 0 : i32
      %dma_wait3A_186 = tpu.memref_slice %arg10[%dma_wait3A_184, %dma_wait3A_185] : memref<24x2048xf32, #tpu.memory_space<vmem>> -> memref<24x2048xf32, #tpu.memory_space<vmem>>
      %dma_wait3A_187 = arith.constant 0 : i32
      %dma_wait3A_188 = tpu.memref_slice %arg6[%multiple_of3A, %dma_wait3A_187] : memref<16384x2048xf32, #tpu.memory_space<hbm>> -> memref<24x2048xf32, #tpu.memory_space<hbm>>
      %dma_wait3A_189 = arith.constant 0 : i32
      %dma_wait3A_190 = tpu.memref_slice %arg6[%multiple_of3A, %dma_wait3A_189] : memref<16384x2048xf32, #tpu.memory_space<hbm>> -> memref<24x2048xf32, #tpu.memory_space<hbm>>
      %dma_wait3A_191 = arith.constant 0 : i32
      %dma_wait3A_192 = arith.constant 0 : i32
      %dma_wait3A_193 = tpu.memref_slice %arg10[%dma_wait3A_191, %dma_wait3A_192] : memref<24x2048xf32, #tpu.memory_space<vmem>> -> memref<24x2048xf32, #tpu.memory_space<vmem>>
      tpu.wait_dma2 semaphore(%arg14 : memref<!tpu.dma_semaphore, #tpu.memory_space<semaphore_mem>>) src(%dma_wait3A_193 : memref<24x2048xf32, #tpu.memory_space<vmem>>) dst(%dma_wait3A_190 : memref<24x2048xf32, #tpu.memory_space<hbm>>)
      %add3A_194 = arith.constant 48 : i32
      %add3A_195 = arith.addi %multiple_of3A_159, %add3A_194 : i32
      %dma_start3A_196 = arith.constant 0 : i32
      %dma_start3A_197 = arith.constant 0 : i32
      %dma_start3A_198 = tpu.memref_slice %arg10[%dma_start3A_196, %dma_start3A_197] : memref<24x2048xf32, #tpu.memory_space<vmem>> -> memref<24x2048xf32, #tpu.memory_space<vmem>>
      %dma_start3A_199 = tpu.memref_slice %arg7[%add3A_195] : memref<528xi32, #tpu.memory_space<vmem>> -> memref<24xi32, #tpu.memory_space<vmem>>
      %dma_start3A_200 = arith.constant 0 : i32
      %dma_start3A_201 = arith.constant 0 : i32
      %dma_start3A_202 = tpu.memref_slice %arg4[%dma_start3A_200, %dma_start3A_201] : memref<32000x2048xf32, #tpu.memory_space<hbm>> -> memref<32000x2048xf32, #tpu.memory_space<hbm>>
      tpu.enqueue_indirect_dma source(%dma_start3A_202 : memref<32000x2048xf32, #tpu.memory_space<hbm>>) target(%dma_start3A_198 : memref<24x2048xf32, #tpu.memory_space<vmem>>) offsets(%dma_start3A_199 : memref<24xi32, #tpu.memory_space<vmem>>) semaphore(%arg12 : memref<!tpu.dma_semaphore, #tpu.memory_space<semaphore_mem>>)
      %add3A_203 = arith.constant 24 : i32
      %add3A_204 = arith.addi %multiple_of3A_159, %add3A_203 : i32
      %dma_wait3A_205 = arith.constant 0 : i32
      %dma_wait3A_206 = arith.constant 0 : i32
      %dma_wait3A_207 = tpu.memref_slice %arg11[%dma_wait3A_205, %dma_wait3A_206] : memref<24x2048xf32, #tpu.memory_space<vmem>> -> memref<24x2048xf32, #tpu.memory_space<vmem>>
      %dma_wait3A_208 = arith.constant 0 : i32
      %dma_wait3A_209 = tpu.memref_slice %arg7[%dma_wait3A_208] : memref<528xi32, #tpu.memory_space<vmem>> -> memref<24xi32, #tpu.memory_space<vmem>>
      %dma_wait3A_210 = arith.constant 0 : i32
      %dma_wait3A_211 = arith.constant 0 : i32
      %dma_wait3A_212 = tpu.memref_slice %arg4[%dma_wait3A_210, %dma_wait3A_211] : memref<32000x2048xf32, #tpu.memory_space<hbm>> -> memref<32000x2048xf32, #tpu.memory_space<hbm>>
      tpu.wait_indirect_dma semaphore(%arg13 : memref<!tpu.dma_semaphore, #tpu.memory_space<semaphore_mem>>) src(%dma_wait3A_212 : memref<32000x2048xf32, #tpu.memory_space<hbm>>) dst(%dma_wait3A_207 : memref<24x2048xf32, #tpu.memory_space<vmem>>)
      %scan3A_213 = arith.constant 0 : i32
      %scan3A_214 = arith.constant 24 : i32
      %scan3A_215 = arith.addi %scan3A_213, %scan3A_214 : i32
      %scan3A_216 = arith.constant 1 : i32
      scf.for %scan3A_234 = %scan3A_213 to %scan3A_215 step %scan3A_216  : i32 {
        %add3A_235 = arith.addi %add3A_204, %scan3A_234 : i32
        %get3A = arith.index_cast %add3A_235 : i32 to index
        %get3A_236 = tpu.vector_load %arg7[%get3A] {strides = array<i32>} : memref<528xi32, #tpu.memory_space<vmem>>, vector<16xi32>,
        %get3A_237 = vector.shape_cast %get3A_236 : vector<16xi32> to vector<16xi32>
        %slice3A = vector.extract_strided_slice %get3A_237 {offsets = [0], sizes = [1], strides = [1]} : vector<16xi32> to vector<1xi32>
        %squeeze3A = vector.extract %slice3A[0] : i32 from vector<1xi32>
        %eq3A_238 = arith.constant 5 : i32
        %eq3A_239 = arith.cmpi eq, %squeeze3A, %eq3A_238 : i32
        %convert_element_type3A_240 = arith.extui %eq3A_239 : i1 to i32
        %cond3A_241 = arith.constant 0 : i32
        %cond3A_242 = arith.cmpi ne, %convert_element_type3A_240, %cond3A_241 : i32
        scf.if %cond3A_242 {
          %add3A_243 = arith.addi %add3A_204, %scan3A_234 : i32
          %get3A_244 = arith.index_cast %add3A_243 : i32 to index
          %get3A_245 = tpu.vector_load %arg8[%get3A_244] {strides = array<i32>} : memref<528xf32, #tpu.memory_space<vmem>>, vector<16xf32>,
          %get3A_246 = vector.shape_cast %get3A_245 : vector<16xf32> to vector<16xf32>
          %sign3A_247 = tpu.bitcast %get3A_246 : vector<16xf32> -> vector<16xi32>
          %sign3A_248 = arith.constant -2147483648 : i32
          %sign3A_249 = vector.broadcast %sign3A_248 : i32 to vector<16xi32>
          %sign3A_250 = arith.andi %sign3A_247, %sign3A_249 : vector<16xi32>
          %sign3A_251 = arith.constant 1065353216 : i32
          %sign3A_252 = vector.broadcast %sign3A_251 : i32 to vector<16xi32>
          %sign3A_253 = arith.ori %sign3A_252, %sign3A_250 : vector<16xi32>
          %sign3A_254 = tpu.bitcast %sign3A_253 : vector<16xi32> -> vector<16xf32>
          %sign3A_255 = math.absf %get3A_246 : vector<16xf32>
          %sign3A_256 = arith.constant 0.000000e+00 : f32
          %sign3A_257 = vector.broadcast %sign3A_256 : f32 to vector<16xf32>
          %sign3A_258 = arith.cmpf ogt, %sign3A_255, %sign3A_257 : vector<16xf32>
          %sign3A_259 = arith.select %sign3A_258, %sign3A_254, %get3A_246 : vector<16xi1>, vector<16xf32>
          %abs3A = math.absf %get3A_246 : vector<16xf32>
          %add3A_260 = arith.constant 1.000000e+00 : f32
          %add3A_261 = vector.broadcast %add3A_260 : f32 to vector<16xf32>
          %add3A_262 = arith.addf %abs3A, %add3A_261 : vector<16xf32>
          %bitcast_convert_type3A = tpu.bitcast %add3A_262 : vector<16xf32> -> vector<16xi32>
          %shift_right_logical3A = arith.constant 23 : i32
          %shift_right_logical3A_263 = vector.broadcast %shift_right_logical3A : i32 to vector<16xi32>
          %shift_right_logical3A_264 = arith.shrui %bitcast_convert_type3A, %shift_right_logical3A_263 : vector<16xi32>
          %sub3A_265 = arith.constant 127 : i32
          %sub3A_266 = vector.broadcast %sub3A_265 : i32 to vector<16xi32>
          %sub3A_267 = arith.subi %shift_right_logical3A_264, %sub3A_266 : vector<16xi32>
          %convert_element_type3A_268 = arith.sitofp %sub3A_267 : vector<16xi32> to vector<16xf32>
          %and3A_269 = arith.constant 8388607 : i32
          %and3A_270 = vector.broadcast %and3A_269 : i32 to vector<16xi32>
          %and3A_271 = arith.andi %bitcast_convert_type3A, %and3A_270 : vector<16xi32>
          %or3A = arith.constant 1065353216 : i32
          %or3A_272 = vector.broadcast %or3A : i32 to vector<16xi32>
          %or3A_273 = arith.ori %and3A_271, %or3A_272 : vector<16xi32>
          %bitcast_convert_type3A_274 = tpu.bitcast %or3A_273 : vector<16xi32> -> vector<16xf32>
          %sub3A_275 = arith.constant 1.000000e+00 : f32
          %sub3A_276 = vector.broadcast %sub3A_275 : f32 to vector<16xf32>
          %sub3A_277 = arith.subf %bitcast_convert_type3A_274, %sub3A_276 : vector<16xf32>
          %add3A_278 = arith.constant 1.000000e+00 : f32
          %add3A_279 = vector.broadcast %add3A_278 : f32 to vector<16xf32>
          %add3A_280 = arith.addf %bitcast_convert_type3A_274, %add3A_279 : vector<16xf32>
          %div3A_281 = arith.divf %sub3A_277, %add3A_280 : vector<16xf32>
          %mul3A_282 = arith.mulf %div3A_281, %div3A_281 : vector<16xf32>
          %mul3A_283 = arith.constant 0.000000e+00 : f32
          %mul3A_284 = vector.broadcast %mul3A_283 : f32 to vector<16xf32>
          %mul3A_285 = arith.mulf %mul3A_282, %mul3A_284 : vector<16xf32>
          %add3A_286 = arith.constant 0.111111112 : f32
          %add3A_287 = vector.broadcast %add3A_286 : f32 to vector<16xf32>
          %add3A_288 = arith.addf %add3A_287, %mul3A_285 : vector<16xf32>
          %mul3A_289 = arith.mulf %add3A_288, %mul3A_282 : vector<16xf32>
          %add3A_290 = arith.constant 0.142857149 : f32
          %add3A_291 = vector.broadcast %add3A_290 : f32 to vector<16xf32>
          %add3A_292 = arith.addf %mul3A_289, %add3A_291 : vector<16xf32>
          %mul3A_293 = arith.mulf %add3A_292, %mul3A_282 : vector<16xf32>
          %add3A_294 = arith.constant 2.000000e-01 : f32
          %add3A_295 = vector.broadcast %add3A_294 : f32 to vector<16xf32>
          %add3A_296 = arith.addf %mul3A_293, %add3A_295 : vector<16xf32>
          %mul3A_297 = arith.mulf %add3A_296, %mul3A_282 : vector<16xf32>
          %add3A_298 = arith.constant 0.333333343 : f32
          %add3A_299 = vector.broadcast %add3A_298 : f32 to vector<16xf32>
          %add3A_300 = arith.addf %mul3A_297, %add3A_299 : vector<16xf32>
          %mul3A_301 = arith.mulf %add3A_300, %mul3A_282 : vector<16xf32>
          %add3A_302 = arith.constant 1.000000e+00 : f32
          %add3A_303 = vector.broadcast %add3A_302 : f32 to vector<16xf32>
          %add3A_304 = arith.addf %mul3A_301, %add3A_303 : vector<16xf32>
          %mul3A_305 = arith.constant 0.693147182 : f32
          %mul3A_306 = vector.broadcast %mul3A_305 : f32 to vector<16xf32>
          %mul3A_307 = arith.mulf %convert_element_type3A_268, %mul3A_306 : vector<16xf32>
          %mul3A_308 = arith.constant 2.000000e+00 : f32
          %mul3A_309 = vector.broadcast %mul3A_308 : f32 to vector<16xf32>
          %mul3A_310 = arith.mulf %mul3A_309, %div3A_281 : vector<16xf32>
          %mul3A_311 = arith.mulf %mul3A_310, %add3A_304 : vector<16xf32>
          %add3A_312 = arith.addf %mul3A_307, %mul3A_311 : vector<16xf32>
          %mul3A_313 = arith.mulf %sign3A_259, %add3A_312 : vector<16xf32>
          %slice3A_314 = vector.extract_strided_slice %mul3A_313 {offsets = [0], sizes = [1], strides = [1]} : vector<16xf32> to vector<1xf32>
          %squeeze3A_315 = vector.extract %slice3A_314[0] : f32 from vector<1xf32>
          %broadcast_in_dim3A = vector.broadcast %squeeze3A_315 : f32 to vector<16xf32>
          %scan3A_316 = arith.constant 0 : i32
          %scan3A_317 = arith.constant 128 : i32
          %scan3A_318 = arith.addi %scan3A_316, %scan3A_317 : i32
          %scan3A_319 = arith.constant 1 : i32
          scf.for %scan3A_321 = %scan3A_316 to %scan3A_318 step %scan3A_319  : i32 {
            %mul3A_322 = arith.constant 16 : i32
            %mul3A_323 = arith.muli %scan3A_321, %mul3A_322 : i32
            %get3A_324 = arith.index_cast %scan3A_234 : i32 to index
            %get3A_325 = arith.index_cast %mul3A_323 : i32 to index
            %get3A_326 = tpu.vector_load %arg11[%get3A_324, %get3A_325] {strides = array<i32>} : memref<24x2048xf32, #tpu.memory_space<vmem>>, vector<1x16xf32>,
            %get3A_327 = vector.shape_cast %get3A_326 : vector<1x16xf32> to vector<16xf32>
            %get3A_328 = arith.index_cast %mul3A_323 : i32 to index
            %get3A_329 = tpu.vector_load %arg9[%get3A_328] {strides = array<i32>} : memref<2048xf32, #tpu.memory_space<vmem>>, vector<16xf32>,
            %get3A_330 = vector.shape_cast %get3A_329 : vector<16xf32> to vector<16xf32>
            %mul3A_331 = arith.mulf %broadcast_in_dim3A, %get3A_330 : vector<16xf32>
            %add3A_332 = arith.addf %get3A_327, %mul3A_331 : vector<16xf32>
            %swap3A = arith.index_cast %scan3A_234 : i32 to index
            %swap3A_333 = arith.index_cast %mul3A_323 : i32 to index
            %swap3A_334 = tpu.vector_load %arg11[%swap3A, %swap3A_333] {strides = array<i32>} : memref<24x2048xf32, #tpu.memory_space<vmem>>, vector<1x16xf32>,
            %swap3A_335 = vector.shape_cast %swap3A_334 : vector<1x16xf32> to vector<16xf32>
            %swap3A_336 = vector.shape_cast %add3A_332 : vector<16xf32> to vector<1x16xf32>
            tpu.vector_store %arg11[%swap3A, %swap3A_333], %swap3A_336 {strides = array<i32>} : memref<24x2048xf32, #tpu.memory_space<vmem>>, vector<1x16xf32>,
          }
          %scan3A_320 = arith.constant 128 : i32
        } else {
        }
      }
      %scan3A_217 = arith.constant 24 : i32
      %add3A_218 = arith.addi %multiple_of3A, %add3A_204 : i32
      %dma_start3A_219 = arith.constant 0 : i32
      %dma_start3A_220 = arith.constant 0 : i32
      %dma_start3A_221 = tpu.memref_slice %arg11[%dma_start3A_219, %dma_start3A_220] : memref<24x2048xf32, #tpu.memory_space<vmem>> -> memref<24x2048xf32, #tpu.memory_space<vmem>>
      %dma_start3A_222 = arith.constant 0 : i32
      %dma_start3A_223 = tpu.memref_slice %arg6[%add3A_218, %dma_start3A_222] : memref<16384x2048xf32, #tpu.memory_space<hbm>> -> memref<24x2048xf32, #tpu.memory_space<hbm>>
      %dma_start3A_224 = arith.constant 0 : i32
      %dma_start3A_225 = tpu.memref_slice %arg6[%add3A_218, %dma_start3A_224] : memref<16384x2048xf32, #tpu.memory_space<hbm>> -> memref<24x2048xf32, #tpu.memory_space<hbm>>
      %dma_start3A_226 = arith.constant 0 : i32
      %dma_start3A_227 = arith.constant 0 : i32
      %dma_start3A_228 = tpu.memref_slice %arg11[%dma_start3A_226, %dma_start3A_227] : memref<24x2048xf32, #tpu.memory_space<vmem>> -> memref<24x2048xf32, #tpu.memory_space<vmem>>
      tpu.enqueue_dma source(%dma_start3A_228 : memref<24x2048xf32, #tpu.memory_space<vmem>>) target(%dma_start3A_225 : memref<24x2048xf32, #tpu.memory_space<hbm>>) target_semaphore(%arg15 : memref<!tpu.dma_semaphore, #tpu.memory_space<semaphore_mem>>)
      %add3A_229 = arith.constant 1 : i32
      %add3A_230 = arith.addi %scan3A_156, %add3A_229 : i32
      %lt3A_231 = arith.constant 10 : i32
      %lt3A_232 = arith.cmpi slt, %add3A_230, %lt3A_231 : i32
      %convert_element_type3A = arith.extui %lt3A_232 : i1 to i32
      %cond3A = arith.constant 0 : i32
      %cond3A_233 = arith.cmpi ne, %convert_element_type3A, %cond3A : i32
      scf.if %cond3A_233 {
        %dma_wait3A_234 = arith.constant 0 : i32
        %dma_wait3A_235 = arith.constant 0 : i32
        %dma_wait3A_236 = tpu.memref_slice %arg11[%dma_wait3A_234, %dma_wait3A_235] : memref<24x2048xf32, #tpu.memory_space<vmem>> -> memref<24x2048xf32, #tpu.memory_space<vmem>>
        %dma_wait3A_237 = arith.constant 0 : i32
        %dma_wait3A_238 = tpu.memref_slice %arg6[%multiple_of3A, %dma_wait3A_237] : memref<16384x2048xf32, #tpu.memory_space<hbm>> -> memref<24x2048xf32, #tpu.memory_space<hbm>>
        %dma_wait3A_239 = arith.constant 0 : i32
        %dma_wait3A_240 = tpu.memref_slice %arg6[%multiple_of3A, %dma_wait3A_239] : memref<16384x2048xf32, #tpu.memory_space<hbm>> -> memref<24x2048xf32, #tpu.memory_space<hbm>>
        %dma_wait3A_241 = arith.constant 0 : i32
        %dma_wait3A_242 = arith.constant 0 : i32
        %dma_wait3A_243 = tpu.memref_slice %arg11[%dma_wait3A_241, %dma_wait3A_242] : memref<24x2048xf32, #tpu.memory_space<vmem>> -> memref<24x2048xf32, #tpu.memory_space<vmem>>
        tpu.wait_dma2 semaphore(%arg15 : memref<!tpu.dma_semaphore, #tpu.memory_space<semaphore_mem>>) src(%dma_wait3A_243 : memref<24x2048xf32, #tpu.memory_space<vmem>>) dst(%dma_wait3A_240 : memref<24x2048xf32, #tpu.memory_space<hbm>>)
        %add3A_244 = arith.constant 48 : i32
        %add3A_245 = arith.addi %add3A_204, %add3A_244 : i32
        %dma_start3A_246 = arith.constant 0 : i32
        %dma_start3A_247 = arith.constant 0 : i32
        %dma_start3A_248 = tpu.memref_slice %arg11[%dma_start3A_246, %dma_start3A_247] : memref<24x2048xf32, #tpu.memory_space<vmem>> -> memref<24x2048xf32, #tpu.memory_space<vmem>>
        %dma_start3A_249 = tpu.memref_slice %arg7[%add3A_245] : memref<528xi32, #tpu.memory_space<vmem>> -> memref<24xi32, #tpu.memory_space<vmem>>
        %dma_start3A_250 = arith.constant 0 : i32
        %dma_start3A_251 = arith.constant 0 : i32
        %dma_start3A_252 = tpu.memref_slice %arg4[%dma_start3A_250, %dma_start3A_251] : memref<32000x2048xf32, #tpu.memory_space<hbm>> -> memref<32000x2048xf32, #tpu.memory_space<hbm>>
        tpu.enqueue_indirect_dma source(%dma_start3A_252 : memref<32000x2048xf32, #tpu.memory_space<hbm>>) target(%dma_start3A_248 : memref<24x2048xf32, #tpu.memory_space<vmem>>) offsets(%dma_start3A_249 : memref<24xi32, #tpu.memory_space<vmem>>) semaphore(%arg13 : memref<!tpu.dma_semaphore, #tpu.memory_space<semaphore_mem>>)
      } else {
      }
    }
    %scan3A_67 = arith.constant 10 : i32
    %dma_wait3A_68 = arith.constant 0 : i32
    %dma_wait3A_69 = arith.constant 0 : i32
    %dma_wait3A_70 = tpu.memref_slice %arg10[%dma_wait3A_68, %dma_wait3A_69] : memref<24x2048xf32, #tpu.memory_space<vmem>> -> memref<24x2048xf32, #tpu.memory_space<vmem>>
    %dma_wait3A_71 = arith.constant 0 : i32
    %dma_wait3A_72 = tpu.memref_slice %arg7[%dma_wait3A_71] : memref<528xi32, #tpu.memory_space<vmem>> -> memref<24xi32, #tpu.memory_space<vmem>>
    %dma_wait3A_73 = arith.constant 0 : i32
    %dma_wait3A_74 = arith.constant 0 : i32
    %dma_wait3A_75 = tpu.memref_slice %arg4[%dma_wait3A_73, %dma_wait3A_74] : memref<32000x2048xf32, #tpu.memory_space<hbm>> -> memref<32000x2048xf32, #tpu.memory_space<hbm>>
    tpu.wait_indirect_dma semaphore(%arg12 : memref<!tpu.dma_semaphore, #tpu.memory_space<semaphore_mem>>) src(%dma_wait3A_75 : memref<32000x2048xf32, #tpu.memory_space<hbm>>) dst(%dma_wait3A_70 : memref<24x2048xf32, #tpu.memory_space<vmem>>)
    %scan3A_76 = arith.constant 0 : i32
    %scan3A_77 = arith.constant 24 : i32
    %scan3A_78 = arith.addi %scan3A_76, %scan3A_77 : i32
    %scan3A_79 = arith.constant 1 : i32
    scf.for %scan3A_156 = %scan3A_76 to %scan3A_78 step %scan3A_79  : i32 {
      %add3A_157 = arith.constant 480 : i32
      %add3A_158 = arith.addi %add3A_157, %scan3A_156 : i32
      %get3A = arith.index_cast %add3A_158 : i32 to index
      %get3A_159 = tpu.vector_load %arg7[%get3A] {strides = array<i32>} : memref<528xi32, #tpu.memory_space<vmem>>, vector<16xi32>,
      %get3A_160 = vector.shape_cast %get3A_159 : vector<16xi32> to vector<16xi32>
      %slice3A = vector.extract_strided_slice %get3A_160 {offsets = [0], sizes = [1], strides = [1]} : vector<16xi32> to vector<1xi32>
      %squeeze3A = vector.extract %slice3A[0] : i32 from vector<1xi32>
      %eq3A_161 = arith.constant 5 : i32
      %eq3A_162 = arith.cmpi eq, %squeeze3A, %eq3A_161 : i32
      %convert_element_type3A = arith.extui %eq3A_162 : i1 to i32
      %cond3A = arith.constant 0 : i32
      %cond3A_163 = arith.cmpi ne, %convert_element_type3A, %cond3A : i32
      scf.if %cond3A_163 {
        %add3A_164 = arith.constant 480 : i32
        %add3A_165 = arith.addi %add3A_164, %scan3A_156 : i32
        %get3A_166 = arith.index_cast %add3A_165 : i32 to index
        %get3A_167 = tpu.vector_load %arg8[%get3A_166] {strides = array<i32>} : memref<528xf32, #tpu.memory_space<vmem>>, vector<16xf32>,
        %get3A_168 = vector.shape_cast %get3A_167 : vector<16xf32> to vector<16xf32>
        %sign3A_169 = tpu.bitcast %get3A_168 : vector<16xf32> -> vector<16xi32>
        %sign3A_170 = arith.constant -2147483648 : i32
        %sign3A_171 = vector.broadcast %sign3A_170 : i32 to vector<16xi32>
        %sign3A_172 = arith.andi %sign3A_169, %sign3A_171 : vector<16xi32>
        %sign3A_173 = arith.constant 1065353216 : i32
        %sign3A_174 = vector.broadcast %sign3A_173 : i32 to vector<16xi32>
        %sign3A_175 = arith.ori %sign3A_174, %sign3A_172 : vector<16xi32>
        %sign3A_176 = tpu.bitcast %sign3A_175 : vector<16xi32> -> vector<16xf32>
        %sign3A_177 = math.absf %get3A_168 : vector<16xf32>
        %sign3A_178 = arith.constant 0.000000e+00 : f32
        %sign3A_179 = vector.broadcast %sign3A_178 : f32 to vector<16xf32>
        %sign3A_180 = arith.cmpf ogt, %sign3A_177, %sign3A_179 : vector<16xf32>
        %sign3A_181 = arith.select %sign3A_180, %sign3A_176, %get3A_168 : vector<16xi1>, vector<16xf32>
        %abs3A = math.absf %get3A_168 : vector<16xf32>
        %add3A_182 = arith.constant 1.000000e+00 : f32
        %add3A_183 = vector.broadcast %add3A_182 : f32 to vector<16xf32>
        %add3A_184 = arith.addf %abs3A, %add3A_183 : vector<16xf32>
        %bitcast_convert_type3A = tpu.bitcast %add3A_184 : vector<16xf32> -> vector<16xi32>
        %shift_right_logical3A = arith.constant 23 : i32
        %shift_right_logical3A_185 = vector.broadcast %shift_right_logical3A : i32 to vector<16xi32>
        %shift_right_logical3A_186 = arith.shrui %bitcast_convert_type3A, %shift_right_logical3A_185 : vector<16xi32>
        %sub3A_187 = arith.constant 127 : i32
        %sub3A_188 = vector.broadcast %sub3A_187 : i32 to vector<16xi32>
        %sub3A_189 = arith.subi %shift_right_logical3A_186, %sub3A_188 : vector<16xi32>
        %convert_element_type3A_190 = arith.sitofp %sub3A_189 : vector<16xi32> to vector<16xf32>
        %and3A_191 = arith.constant 8388607 : i32
        %and3A_192 = vector.broadcast %and3A_191 : i32 to vector<16xi32>
        %and3A_193 = arith.andi %bitcast_convert_type3A, %and3A_192 : vector<16xi32>
        %or3A = arith.constant 1065353216 : i32
        %or3A_194 = vector.broadcast %or3A : i32 to vector<16xi32>
        %or3A_195 = arith.ori %and3A_193, %or3A_194 : vector<16xi32>
        %bitcast_convert_type3A_196 = tpu.bitcast %or3A_195 : vector<16xi32> -> vector<16xf32>
        %sub3A_197 = arith.constant 1.000000e+00 : f32
        %sub3A_198 = vector.broadcast %sub3A_197 : f32 to vector<16xf32>
        %sub3A_199 = arith.subf %bitcast_convert_type3A_196, %sub3A_198 : vector<16xf32>
        %add3A_200 = arith.constant 1.000000e+00 : f32
        %add3A_201 = vector.broadcast %add3A_200 : f32 to vector<16xf32>
        %add3A_202 = arith.addf %bitcast_convert_type3A_196, %add3A_201 : vector<16xf32>
        %div3A_203 = arith.divf %sub3A_199, %add3A_202 : vector<16xf32>
        %mul3A_204 = arith.mulf %div3A_203, %div3A_203 : vector<16xf32>
        %mul3A_205 = arith.constant 0.000000e+00 : f32
        %mul3A_206 = vector.broadcast %mul3A_205 : f32 to vector<16xf32>
        %mul3A_207 = arith.mulf %mul3A_204, %mul3A_206 : vector<16xf32>
        %add3A_208 = arith.constant 0.111111112 : f32
        %add3A_209 = vector.broadcast %add3A_208 : f32 to vector<16xf32>
        %add3A_210 = arith.addf %add3A_209, %mul3A_207 : vector<16xf32>
        %mul3A_211 = arith.mulf %add3A_210, %mul3A_204 : vector<16xf32>
        %add3A_212 = arith.constant 0.142857149 : f32
        %add3A_213 = vector.broadcast %add3A_212 : f32 to vector<16xf32>
        %add3A_214 = arith.addf %mul3A_211, %add3A_213 : vector<16xf32>
        %mul3A_215 = arith.mulf %add3A_214, %mul3A_204 : vector<16xf32>
        %add3A_216 = arith.constant 2.000000e-01 : f32
        %add3A_217 = vector.broadcast %add3A_216 : f32 to vector<16xf32>
        %add3A_218 = arith.addf %mul3A_215, %add3A_217 : vector<16xf32>
        %mul3A_219 = arith.mulf %add3A_218, %mul3A_204 : vector<16xf32>
        %add3A_220 = arith.constant 0.333333343 : f32
        %add3A_221 = vector.broadcast %add3A_220 : f32 to vector<16xf32>
        %add3A_222 = arith.addf %mul3A_219, %add3A_221 : vector<16xf32>
        %mul3A_223 = arith.mulf %add3A_222, %mul3A_204 : vector<16xf32>
        %add3A_224 = arith.constant 1.000000e+00 : f32
        %add3A_225 = vector.broadcast %add3A_224 : f32 to vector<16xf32>
        %add3A_226 = arith.addf %mul3A_223, %add3A_225 : vector<16xf32>
        %mul3A_227 = arith.constant 0.693147182 : f32
        %mul3A_228 = vector.broadcast %mul3A_227 : f32 to vector<16xf32>
        %mul3A_229 = arith.mulf %convert_element_type3A_190, %mul3A_228 : vector<16xf32>
        %mul3A_230 = arith.constant 2.000000e+00 : f32
        %mul3A_231 = vector.broadcast %mul3A_230 : f32 to vector<16xf32>
        %mul3A_232 = arith.mulf %mul3A_231, %div3A_203 : vector<16xf32>
        %mul3A_233 = arith.mulf %mul3A_232, %add3A_226 : vector<16xf32>
        %add3A_234 = arith.addf %mul3A_229, %mul3A_233 : vector<16xf32>
        %mul3A_235 = arith.mulf %sign3A_181, %add3A_234 : vector<16xf32>
        %slice3A_236 = vector.extract_strided_slice %mul3A_235 {offsets = [0], sizes = [1], strides = [1]} : vector<16xf32> to vector<1xf32>
        %squeeze3A_237 = vector.extract %slice3A_236[0] : f32 from vector<1xf32>
        %broadcast_in_dim3A = vector.broadcast %squeeze3A_237 : f32 to vector<16xf32>
        %scan3A_238 = arith.constant 0 : i32
        %scan3A_239 = arith.constant 128 : i32
        %scan3A_240 = arith.addi %scan3A_238, %scan3A_239 : i32
        %scan3A_241 = arith.constant 1 : i32
        scf.for %scan3A_243 = %scan3A_238 to %scan3A_240 step %scan3A_241  : i32 {
          %mul3A_244 = arith.constant 16 : i32
          %mul3A_245 = arith.muli %scan3A_243, %mul3A_244 : i32
          %get3A_246 = arith.index_cast %scan3A_156 : i32 to index
          %get3A_247 = arith.index_cast %mul3A_245 : i32 to index
          %get3A_248 = tpu.vector_load %arg10[%get3A_246, %get3A_247] {strides = array<i32>} : memref<24x2048xf32, #tpu.memory_space<vmem>>, vector<1x16xf32>,
          %get3A_249 = vector.shape_cast %get3A_248 : vector<1x16xf32> to vector<16xf32>
          %get3A_250 = arith.index_cast %mul3A_245 : i32 to index
          %get3A_251 = tpu.vector_load %arg9[%get3A_250] {strides = array<i32>} : memref<2048xf32, #tpu.memory_space<vmem>>, vector<16xf32>,
          %get3A_252 = vector.shape_cast %get3A_251 : vector<16xf32> to vector<16xf32>
          %mul3A_253 = arith.mulf %broadcast_in_dim3A, %get3A_252 : vector<16xf32>
          %add3A_254 = arith.addf %get3A_249, %mul3A_253 : vector<16xf32>
          %swap3A = arith.index_cast %scan3A_156 : i32 to index
          %swap3A_255 = arith.index_cast %mul3A_245 : i32 to index
          %swap3A_256 = tpu.vector_load %arg10[%swap3A, %swap3A_255] {strides = array<i32>} : memref<24x2048xf32, #tpu.memory_space<vmem>>, vector<1x16xf32>,
          %swap3A_257 = vector.shape_cast %swap3A_256 : vector<1x16xf32> to vector<16xf32>
          %swap3A_258 = vector.shape_cast %add3A_254 : vector<16xf32> to vector<1x16xf32>
          tpu.vector_store %arg10[%swap3A, %swap3A_255], %swap3A_258 {strides = array<i32>} : memref<24x2048xf32, #tpu.memory_space<vmem>>, vector<1x16xf32>,
        }
        %scan3A_242 = arith.constant 128 : i32
      } else {
      }
    }
    %scan3A_80 = arith.constant 24 : i32
    %add3A_81 = arith.constant 480 : i32
    %add3A_82 = arith.addi %multiple_of3A, %add3A_81 : i32
    %dma_start3A_83 = arith.constant 0 : i32
    %dma_start3A_84 = arith.constant 0 : i32
    %dma_start3A_85 = tpu.memref_slice %arg10[%dma_start3A_83, %dma_start3A_84] : memref<24x2048xf32, #tpu.memory_space<vmem>> -> memref<24x2048xf32, #tpu.memory_space<vmem>>
    %dma_start3A_86 = arith.constant 0 : i32
    %dma_start3A_87 = tpu.memref_slice %arg6[%add3A_82, %dma_start3A_86] : memref<16384x2048xf32, #tpu.memory_space<hbm>> -> memref<24x2048xf32, #tpu.memory_space<hbm>>
    %dma_start3A_88 = arith.constant 0 : i32
    %dma_start3A_89 = tpu.memref_slice %arg6[%add3A_82, %dma_start3A_88] : memref<16384x2048xf32, #tpu.memory_space<hbm>> -> memref<24x2048xf32, #tpu.memory_space<hbm>>
    %dma_start3A_90 = arith.constant 0 : i32
    %dma_start3A_91 = arith.constant 0 : i32
    %dma_start3A_92 = tpu.memref_slice %arg10[%dma_start3A_90, %dma_start3A_91] : memref<24x2048xf32, #tpu.memory_space<vmem>> -> memref<24x2048xf32, #tpu.memory_space<vmem>>
    tpu.enqueue_dma source(%dma_start3A_92 : memref<24x2048xf32, #tpu.memory_space<vmem>>) target(%dma_start3A_89 : memref<24x2048xf32, #tpu.memory_space<hbm>>) target_semaphore(%arg14 : memref<!tpu.dma_semaphore, #tpu.memory_space<semaphore_mem>>)
    %dma_wait3A_93 = arith.constant 0 : i32
    %dma_wait3A_94 = arith.constant 0 : i32
    %dma_wait3A_95 = tpu.memref_slice %arg11[%dma_wait3A_93, %dma_wait3A_94] : memref<24x2048xf32, #tpu.memory_space<vmem>> -> memref<24x2048xf32, #tpu.memory_space<vmem>>
    %dma_wait3A_96 = arith.constant 0 : i32
    %dma_wait3A_97 = tpu.memref_slice %arg6[%multiple_of3A, %dma_wait3A_96] : memref<16384x2048xf32, #tpu.memory_space<hbm>> -> memref<24x2048xf32, #tpu.memory_space<hbm>>
    %dma_wait3A_98 = arith.constant 0 : i32
    %dma_wait3A_99 = tpu.memref_slice %arg6[%multiple_of3A, %dma_wait3A_98] : memref<16384x2048xf32, #tpu.memory_space<hbm>> -> memref<24x2048xf32, #tpu.memory_space<hbm>>
    %dma_wait3A_100 = arith.constant 0 : i32
    %dma_wait3A_101 = arith.constant 0 : i32
    %dma_wait3A_102 = tpu.memref_slice %arg11[%dma_wait3A_100, %dma_wait3A_101] : memref<24x2048xf32, #tpu.memory_space<vmem>> -> memref<24x2048xf32, #tpu.memory_space<vmem>>
    tpu.wait_dma2 semaphore(%arg15 : memref<!tpu.dma_semaphore, #tpu.memory_space<semaphore_mem>>) src(%dma_wait3A_102 : memref<24x2048xf32, #tpu.memory_space<vmem>>) dst(%dma_wait3A_99 : memref<24x2048xf32, #tpu.memory_space<hbm>>)
    %dma_start3A_103 = arith.constant 0 : i32
    %dma_start3A_104 = arith.constant 0 : i32
    %dma_start3A_105 = tpu.memref_slice %arg11[%dma_start3A_103, %dma_start3A_104] : memref<24x2048xf32, #tpu.memory_space<vmem>> -> memref<8x2048xf32, #tpu.memory_space<vmem>>
    %dma_start3A_106 = arith.constant 504 : i32
    %dma_start3A_107 = tpu.memref_slice %arg7[%dma_start3A_106] : memref<528xi32, #tpu.memory_space<vmem>> -> memref<8xi32, #tpu.memory_space<vmem>>
    %dma_start3A_108 = arith.constant 0 : i32
    %dma_start3A_109 = arith.constant 0 : i32
    %dma_start3A_110 = tpu.memref_slice %arg4[%dma_start3A_108, %dma_start3A_109] : memref<32000x2048xf32, #tpu.memory_space<hbm>> -> memref<32000x2048xf32, #tpu.memory_space<hbm>>
    tpu.enqueue_indirect_dma source(%dma_start3A_110 : memref<32000x2048xf32, #tpu.memory_space<hbm>>) target(%dma_start3A_105 : memref<8x2048xf32, #tpu.memory_space<vmem>>) offsets(%dma_start3A_107 : memref<8xi32, #tpu.memory_space<vmem>>) semaphore(%arg13 : memref<!tpu.dma_semaphore, #tpu.memory_space<semaphore_mem>>)
    %dma_wait3A_111 = arith.constant 0 : i32
    %dma_wait3A_112 = arith.constant 0 : i32
    %dma_wait3A_113 = tpu.memref_slice %arg11[%dma_wait3A_111, %dma_wait3A_112] : memref<24x2048xf32, #tpu.memory_space<vmem>> -> memref<8x2048xf32, #tpu.memory_space<vmem>>
    %dma_wait3A_114 = arith.constant 0 : i32
    %dma_wait3A_115 = tpu.memref_slice %arg7[%dma_wait3A_114] : memref<528xi32, #tpu.memory_space<vmem>> -> memref<8xi32, #tpu.memory_space<vmem>>
    %dma_wait3A_116 = arith.constant 0 : i32
    %dma_wait3A_117 = arith.constant 0 : i32
    %dma_wait3A_118 = tpu.memref_slice %arg4[%dma_wait3A_116, %dma_wait3A_117] : memref<32000x2048xf32, #tpu.memory_space<hbm>> -> memref<32000x2048xf32, #tpu.memory_space<hbm>>
    tpu.wait_indirect_dma semaphore(%arg13 : memref<!tpu.dma_semaphore, #tpu.memory_space<semaphore_mem>>) src(%dma_wait3A_118 : memref<32000x2048xf32, #tpu.memory_space<hbm>>) dst(%dma_wait3A_113 : memref<8x2048xf32, #tpu.memory_space<vmem>>)
    %scan3A_119 = arith.constant 0 : i32
    %scan3A_120 = arith.constant 8 : i32
    %scan3A_121 = arith.addi %scan3A_119, %scan3A_120 : i32
    %scan3A_122 = arith.constant 1 : i32
    scf.for %scan3A_156 = %scan3A_119 to %scan3A_121 step %scan3A_122  : i32 {
      %add3A_157 = arith.constant 504 : i32
      %add3A_158 = arith.addi %add3A_157, %scan3A_156 : i32
      %get3A = arith.index_cast %add3A_158 : i32 to index
      %get3A_159 = tpu.vector_load %arg7[%get3A] {strides = array<i32>} : memref<528xi32, #tpu.memory_space<vmem>>, vector<16xi32>,
      %get3A_160 = vector.shape_cast %get3A_159 : vector<16xi32> to vector<16xi32>
      %slice3A = vector.extract_strided_slice %get3A_160 {offsets = [0], sizes = [1], strides = [1]} : vector<16xi32> to vector<1xi32>
      %squeeze3A = vector.extract %slice3A[0] : i32 from vector<1xi32>
      %eq3A_161 = arith.constant 5 : i32
      %eq3A_162 = arith.cmpi eq, %squeeze3A, %eq3A_161 : i32
      %convert_element_type3A = arith.extui %eq3A_162 : i1 to i32
      %cond3A = arith.constant 0 : i32
      %cond3A_163 = arith.cmpi ne, %convert_element_type3A, %cond3A : i32
      scf.if %cond3A_163 {
        %add3A_164 = arith.constant 504 : i32
        %add3A_165 = arith.addi %add3A_164, %scan3A_156 : i32
        %get3A_166 = arith.index_cast %add3A_165 : i32 to index
        %get3A_167 = tpu.vector_load %arg8[%get3A_166] {strides = array<i32>} : memref<528xf32, #tpu.memory_space<vmem>>, vector<16xf32>,
        %get3A_168 = vector.shape_cast %get3A_167 : vector<16xf32> to vector<16xf32>
        %sign3A_169 = tpu.bitcast %get3A_168 : vector<16xf32> -> vector<16xi32>
        %sign3A_170 = arith.constant -2147483648 : i32
        %sign3A_171 = vector.broadcast %sign3A_170 : i32 to vector<16xi32>
        %sign3A_172 = arith.andi %sign3A_169, %sign3A_171 : vector<16xi32>
        %sign3A_173 = arith.constant 1065353216 : i32
        %sign3A_174 = vector.broadcast %sign3A_173 : i32 to vector<16xi32>
        %sign3A_175 = arith.ori %sign3A_174, %sign3A_172 : vector<16xi32>
        %sign3A_176 = tpu.bitcast %sign3A_175 : vector<16xi32> -> vector<16xf32>
        %sign3A_177 = math.absf %get3A_168 : vector<16xf32>
        %sign3A_178 = arith.constant 0.000000e+00 : f32
        %sign3A_179 = vector.broadcast %sign3A_178 : f32 to vector<16xf32>
        %sign3A_180 = arith.cmpf ogt, %sign3A_177, %sign3A_179 : vector<16xf32>
        %sign3A_181 = arith.select %sign3A_180, %sign3A_176, %get3A_168 : vector<16xi1>, vector<16xf32>
        %abs3A = math.absf %get3A_168 : vector<16xf32>
        %add3A_182 = arith.constant 1.000000e+00 : f32
        %add3A_183 = vector.broadcast %add3A_182 : f32 to vector<16xf32>
        %add3A_184 = arith.addf %abs3A, %add3A_183 : vector<16xf32>
        %bitcast_convert_type3A = tpu.bitcast %add3A_184 : vector<16xf32> -> vector<16xi32>
        %shift_right_logical3A = arith.constant 23 : i32
        %shift_right_logical3A_185 = vector.broadcast %shift_right_logical3A : i32 to vector<16xi32>
        %shift_right_logical3A_186 = arith.shrui %bitcast_convert_type3A, %shift_right_logical3A_185 : vector<16xi32>
        %sub3A_187 = arith.constant 127 : i32
        %sub3A_188 = vector.broadcast %sub3A_187 : i32 to vector<16xi32>
        %sub3A_189 = arith.subi %shift_right_logical3A_186, %sub3A_188 : vector<16xi32>
        %convert_element_type3A_190 = arith.sitofp %sub3A_189 : vector<16xi32> to vector<16xf32>
        %and3A_191 = arith.constant 8388607 : i32
        %and3A_192 = vector.broadcast %and3A_191 : i32 to vector<16xi32>
        %and3A_193 = arith.andi %bitcast_convert_type3A, %and3A_192 : vector<16xi32>
        %or3A = arith.constant 1065353216 : i32
        %or3A_194 = vector.broadcast %or3A : i32 to vector<16xi32>
        %or3A_195 = arith.ori %and3A_193, %or3A_194 : vector<16xi32>
        %bitcast_convert_type3A_196 = tpu.bitcast %or3A_195 : vector<16xi32> -> vector<16xf32>
        %sub3A_197 = arith.constant 1.000000e+00 : f32
        %sub3A_198 = vector.broadcast %sub3A_197 : f32 to vector<16xf32>
        %sub3A_199 = arith.subf %bitcast_convert_type3A_196, %sub3A_198 : vector<16xf32>
        %add3A_200 = arith.constant 1.000000e+00 : f32
        %add3A_201 = vector.broadcast %add3A_200 : f32 to vector<16xf32>
        %add3A_202 = arith.addf %bitcast_convert_type3A_196, %add3A_201 : vector<16xf32>
        %div3A_203 = arith.divf %sub3A_199, %add3A_202 : vector<16xf32>
        %mul3A_204 = arith.mulf %div3A_203, %div3A_203 : vector<16xf32>
        %mul3A_205 = arith.constant 0.000000e+00 : f32
        %mul3A_206 = vector.broadcast %mul3A_205 : f32 to vector<16xf32>
        %mul3A_207 = arith.mulf %mul3A_204, %mul3A_206 : vector<16xf32>
        %add3A_208 = arith.constant 0.111111112 : f32
        %add3A_209 = vector.broadcast %add3A_208 : f32 to vector<16xf32>
        %add3A_210 = arith.addf %add3A_209, %mul3A_207 : vector<16xf32>
        %mul3A_211 = arith.mulf %add3A_210, %mul3A_204 : vector<16xf32>
        %add3A_212 = arith.constant 0.142857149 : f32
        %add3A_213 = vector.broadcast %add3A_212 : f32 to vector<16xf32>
        %add3A_214 = arith.addf %mul3A_211, %add3A_213 : vector<16xf32>
        %mul3A_215 = arith.mulf %add3A_214, %mul3A_204 : vector<16xf32>
        %add3A_216 = arith.constant 2.000000e-01 : f32
        %add3A_217 = vector.broadcast %add3A_216 : f32 to vector<16xf32>
        %add3A_218 = arith.addf %mul3A_215, %add3A_217 : vector<16xf32>
        %mul3A_219 = arith.mulf %add3A_218, %mul3A_204 : vector<16xf32>
        %add3A_220 = arith.constant 0.333333343 : f32
        %add3A_221 = vector.broadcast %add3A_220 : f32 to vector<16xf32>
        %add3A_222 = arith.addf %mul3A_219, %add3A_221 : vector<16xf32>
        %mul3A_223 = arith.mulf %add3A_222, %mul3A_204 : vector<16xf32>
        %add3A_224 = arith.constant 1.000000e+00 : f32
        %add3A_225 = vector.broadcast %add3A_224 : f32 to vector<16xf32>
        %add3A_226 = arith.addf %mul3A_223, %add3A_225 : vector<16xf32>
        %mul3A_227 = arith.constant 0.693147182 : f32
        %mul3A_228 = vector.broadcast %mul3A_227 : f32 to vector<16xf32>
        %mul3A_229 = arith.mulf %convert_element_type3A_190, %mul3A_228 : vector<16xf32>
        %mul3A_230 = arith.constant 2.000000e+00 : f32
        %mul3A_231 = vector.broadcast %mul3A_230 : f32 to vector<16xf32>
        %mul3A_232 = arith.mulf %mul3A_231, %div3A_203 : vector<16xf32>
        %mul3A_233 = arith.mulf %mul3A_232, %add3A_226 : vector<16xf32>
        %add3A_234 = arith.addf %mul3A_229, %mul3A_233 : vector<16xf32>
        %mul3A_235 = arith.mulf %sign3A_181, %add3A_234 : vector<16xf32>
        %slice3A_236 = vector.extract_strided_slice %mul3A_235 {offsets = [0], sizes = [1], strides = [1]} : vector<16xf32> to vector<1xf32>
        %squeeze3A_237 = vector.extract %slice3A_236[0] : f32 from vector<1xf32>
        %broadcast_in_dim3A = vector.broadcast %squeeze3A_237 : f32 to vector<16xf32>
        %scan3A_238 = arith.constant 0 : i32
        %scan3A_239 = arith.constant 128 : i32
        %scan3A_240 = arith.addi %scan3A_238, %scan3A_239 : i32
        %scan3A_241 = arith.constant 1 : i32
        scf.for %scan3A_243 = %scan3A_238 to %scan3A_240 step %scan3A_241  : i32 {
          %mul3A_244 = arith.constant 16 : i32
          %mul3A_245 = arith.muli %scan3A_243, %mul3A_244 : i32
          %get3A_246 = arith.index_cast %scan3A_156 : i32 to index
          %get3A_247 = arith.index_cast %mul3A_245 : i32 to index
          %get3A_248 = tpu.vector_load %arg11[%get3A_246, %get3A_247] {strides = array<i32>} : memref<24x2048xf32, #tpu.memory_space<vmem>>, vector<1x16xf32>,
          %get3A_249 = vector.shape_cast %get3A_248 : vector<1x16xf32> to vector<16xf32>
          %get3A_250 = arith.index_cast %mul3A_245 : i32 to index
          %get3A_251 = tpu.vector_load %arg9[%get3A_250] {strides = array<i32>} : memref<2048xf32, #tpu.memory_space<vmem>>, vector<16xf32>,
          %get3A_252 = vector.shape_cast %get3A_251 : vector<16xf32> to vector<16xf32>
          %mul3A_253 = arith.mulf %broadcast_in_dim3A, %get3A_252 : vector<16xf32>
          %add3A_254 = arith.addf %get3A_249, %mul3A_253 : vector<16xf32>
          %swap3A = arith.index_cast %scan3A_156 : i32 to index
          %swap3A_255 = arith.index_cast %mul3A_245 : i32 to index
          %swap3A_256 = tpu.vector_load %arg11[%swap3A, %swap3A_255] {strides = array<i32>} : memref<24x2048xf32, #tpu.memory_space<vmem>>, vector<1x16xf32>,
          %swap3A_257 = vector.shape_cast %swap3A_256 : vector<1x16xf32> to vector<16xf32>
          %swap3A_258 = vector.shape_cast %add3A_254 : vector<16xf32> to vector<1x16xf32>
          tpu.vector_store %arg11[%swap3A, %swap3A_255], %swap3A_258 {strides = array<i32>} : memref<24x2048xf32, #tpu.memory_space<vmem>>, vector<1x16xf32>,
        }
        %scan3A_242 = arith.constant 128 : i32
      } else {
      }
    }
    %scan3A_123 = arith.constant 8 : i32
    %add3A_124 = arith.constant 504 : i32
    %add3A_125 = arith.addi %multiple_of3A, %add3A_124 : i32
    %dma_start3A_126 = arith.constant 0 : i32
    %dma_start3A_127 = arith.constant 0 : i32
    %dma_start3A_128 = tpu.memref_slice %arg11[%dma_start3A_126, %dma_start3A_127] : memref<24x2048xf32, #tpu.memory_space<vmem>> -> memref<8x2048xf32, #tpu.memory_space<vmem>>
    %dma_start3A_129 = arith.constant 0 : i32
    %dma_start3A_130 = tpu.memref_slice %arg6[%add3A_125, %dma_start3A_129] : memref<16384x2048xf32, #tpu.memory_space<hbm>> -> memref<8x2048xf32, #tpu.memory_space<hbm>>
    %dma_start3A_131 = arith.constant 0 : i32
    %dma_start3A_132 = tpu.memref_slice %arg6[%add3A_125, %dma_start3A_131] : memref<16384x2048xf32, #tpu.memory_space<hbm>> -> memref<8x2048xf32, #tpu.memory_space<hbm>>
    %dma_start3A_133 = arith.constant 0 : i32
    %dma_start3A_134 = arith.constant 0 : i32
    %dma_start3A_135 = tpu.memref_slice %arg11[%dma_start3A_133, %dma_start3A_134] : memref<24x2048xf32, #tpu.memory_space<vmem>> -> memref<8x2048xf32, #tpu.memory_space<vmem>>
    tpu.enqueue_dma source(%dma_start3A_135 : memref<8x2048xf32, #tpu.memory_space<vmem>>) target(%dma_start3A_132 : memref<8x2048xf32, #tpu.memory_space<hbm>>) target_semaphore(%arg15 : memref<!tpu.dma_semaphore, #tpu.memory_space<semaphore_mem>>)
    %dma_wait3A_136 = arith.constant 0 : i32
    %dma_wait3A_137 = arith.constant 0 : i32
    %dma_wait3A_138 = tpu.memref_slice %arg10[%dma_wait3A_136, %dma_wait3A_137] : memref<24x2048xf32, #tpu.memory_space<vmem>> -> memref<24x2048xf32, #tpu.memory_space<vmem>>
    %dma_wait3A_139 = arith.constant 0 : i32
    %dma_wait3A_140 = tpu.memref_slice %arg6[%multiple_of3A, %dma_wait3A_139] : memref<16384x2048xf32, #tpu.memory_space<hbm>> -> memref<24x2048xf32, #tpu.memory_space<hbm>>
    %dma_wait3A_141 = arith.constant 0 : i32
    %dma_wait3A_142 = tpu.memref_slice %arg6[%multiple_of3A, %dma_wait3A_141] : memref<16384x2048xf32, #tpu.memory_space<hbm>> -> memref<24x2048xf32, #tpu.memory_space<hbm>>
    %dma_wait3A_143 = arith.constant 0 : i32
    %dma_wait3A_144 = arith.constant 0 : i32
    %dma_wait3A_145 = tpu.memref_slice %arg10[%dma_wait3A_143, %dma_wait3A_144] : memref<24x2048xf32, #tpu.memory_space<vmem>> -> memref<24x2048xf32, #tpu.memory_space<vmem>>
    tpu.wait_dma2 semaphore(%arg14 : memref<!tpu.dma_semaphore, #tpu.memory_space<semaphore_mem>>) src(%dma_wait3A_145 : memref<24x2048xf32, #tpu.memory_space<vmem>>) dst(%dma_wait3A_142 : memref<24x2048xf32, #tpu.memory_space<hbm>>)
    %dma_wait3A_146 = arith.constant 0 : i32
    %dma_wait3A_147 = arith.constant 0 : i32
    %dma_wait3A_148 = tpu.memref_slice %arg11[%dma_wait3A_146, %dma_wait3A_147] : memref<24x2048xf32, #tpu.memory_space<vmem>> -> memref<8x2048xf32, #tpu.memory_space<vmem>>
    %dma_wait3A_149 = arith.constant 0 : i32
    %dma_wait3A_150 = tpu.memref_slice %arg6[%multiple_of3A, %dma_wait3A_149] : memref<16384x2048xf32, #tpu.memory_space<hbm>> -> memref<8x2048xf32, #tpu.memory_space<hbm>>
    %dma_wait3A_151 = arith.constant 0 : i32
    %dma_wait3A_152 = tpu.memref_slice %arg6[%multiple_of3A, %dma_wait3A_151] : memref<16384x2048xf32, #tpu.memory_space<hbm>> -> memref<8x2048xf32, #tpu.memory_space<hbm>>
    %dma_wait3A_153 = arith.constant 0 : i32
    %dma_wait3A_154 = arith.constant 0 : i32
    %dma_wait3A_155 = tpu.memref_slice %arg11[%dma_wait3A_153, %dma_wait3A_154] : memref<24x2048xf32, #tpu.memory_space<vmem>> -> memref<8x2048xf32, #tpu.memory_space<vmem>>
    tpu.wait_dma2 semaphore(%arg15 : memref<!tpu.dma_semaphore, #tpu.memory_space<semaphore_mem>>) src(%dma_wait3A_155 : memref<8x2048xf32, #tpu.memory_space<vmem>>) dst(%dma_wait3A_152 : memref<8x2048xf32, #tpu.memory_space<hbm>>)
    return
  }
}

</mosaic_0001>

<sc_bundles>
// kernel: kernel.3.cloned.1.call-start
scs
__scs_entry_jumppad:
0x0: {  	(pc) =	sbr.rel $0x88, $3  }
0x1: {  	(tag) =	ssettag $0x0;
	lr =	simm.s32 $0x1  }
0x2: {  	[smem:$0x3F9D] =	sst lr;
	_ =	strace $0xD0000000  }
0x3: {  	_ = 	snop  }
0x4: {  	_ = 	snop  }
0x5: {  	_ = 	snop  }
0x6: {  	_ = 	snop  }
0x7: {  	_ = 	snop  }
__scs_overlays_trampoline_lowered:
0x8: {  	[smem:$0x3FAC] =	sst s0  }
0x9: {  	[smem:$0x3FAD] =	sst s1  }
0xa: {  	[smem:$0x3FAE] =	sst s2  }
0xb: {  	[smem:$0x3FAF] =	sst s3  }
0xc: {  	[smem:$0x3FB0] =	sst s4  }
0xd: {  	[smem:$0x3FB1] =	sst s5  }
0xe: {  	[smem:$0x3FB2] =	sst s6  }
0xf: {  	[smem:$0x3FB3] =	sst s7  }
0x10: {  	[smem:$0x3FB4] =	sst s8  }
0x11: {  	[smem:$0x3FB5] =	sst s9;
	s0 =	simm.s32 @!p0 $0x0  }
0x12: {  	s1 =	sld [smem:$0x3F9B];
	s0 =	simm.s32 @p0 $0x1  }
0x13: {  	[smem:$0x3FB6] =	sst s0;
	s0 =	simm.s32 @!p1 $0x0  }
0x14: {  	s2 =	sld [smem:$0x3F9A];
	s0 =	simm.s32 @p1 $0x1  }
0x15: {  	[smem:$0x3FB7] =	sst s0;
	s0 =	simm.s32 @!p2 $0x0  }
0x16: {  	s3 =	sld [smem:$0x3FDB];
	s0 =	simm.s32 @p2 $0x1  }
0x17: {  	s4 =	simm.s32 $0x1BF5;
	[smem:$0x3FB9] =	sst s0  }
0x18: {  	s0 =	sld [smem:$0x3F9C];
	_ =	swait.ge [sflag:s4], $0x0  }
0x19: {  	s7 =	sld [smem:$0x3F9D]  }
0x1a: {  	s8 =	sadd.s32 $0xFFFFE003, lr  }
0x1b: {  	s9 =	sadd.s32 $0xFFFFFEF7, lr;
	s5 =	simm.s32 $0xFFFFFFFF;
	p2 =	slt.u32 s8, $0xFFFFF086  }
0x1c: {  	p1 =	slt.u32 s9, $0xF7A;
	s5 =	simm.s32 @!p2 $0x0  }
0x1d: {  	s5 =	simm.s32 @p1 $0x1;
	p0 =	seq.s32 s7, s2  }
0x1e: {  	s7 =	smul.u32 @!p0 $0xF7A, s2;
	p2 =	seq.s32 @!p0 s5, $0x0  }
0x1f: {  	s9 =	smul.u32 $0xF7A, s1;
	s8 =	simm.s32 @!p0 $0x1BF5;
	p2 =	por !p2, p0  }
0x20: {  	[sflag:s8] =	ssyncset.s32 @!p0 $0xFFFFF086;
	s6 =	sadd.s32 @!p0 s3, s7;
	s7 =	simm.s32 @!p0 $0x108  }
0x21: {  	s3 =	sadd.s32 s3, s9;
	s6 =	sadd.s32 @!p0 $0x88, s6;
	s7 =	simm.s32 @p2 $0x1082  }
0x22: {  	[simem:s7], [sflag:s8] =	dma.local @!p0 [hbm:s6], $0xF7A  }
0x23: {  	s9 =	sor.u32 $0xD0000000, s2;
	s6 =	simm.s32 $0x108;
	_ =	swait.ge @!p0 [sflag:s8], $0x0  }
0x24: {  	s3 =	sadd.s32 $0x88, s3;
	s6 =	simm.s32 @!p1 $0x1082;
	[sflag:s4] =	ssyncset.s32 $0xFFFFF086  }
0x25: {  	[simem:s6], [sflag:s4] =	dma.local [hbm:s3], $0xF7A  }
0x26: {  	[smem:$0x3F9D] =	sst s1;
	(tag) =	ssettag s2;
	_ =	strace s9  }
0x27: {  	s1 =	sld [smem:$0x3FAD]  }
0x28: {  	s2 =	sld [smem:$0x3FAE]  }
0x29: {  	s4 =	sld [smem:$0x3FB0]  }
0x2a: {  	p0 =	seq.s32 s5, $0x0;
	s5 =	sld [smem:$0x3FB1]  }
0x2b: {  	s6 =	sld [smem:$0x3FB2]  }
0x2c: {  	s7 =	sld [smem:$0x3FB3]  }
0x2d: {  	s3 =	simm.s32 $0x108;
	s8 =	sld [smem:$0x3FB4]  }
0x2e: {  	s3 =	simm.s32 @!p0 $0x1082;
	s9 =	sld [smem:$0x3FB5]  }
0x2f: {  	lr =	sadd.s32 s0, s3;
	s0 =	sld [smem:$0x3FAC]  }
0x30: {  	s3 =	sld [smem:$0x3FAF]  }
0x31: {  	[smem:$0x3FB8] =	sst s10  }
0x32: {  	s10 =	sld [smem:$0x3FB6];
	_ =	sdelay $0x3  }
0x33: {  	p0 =	seq.s32 s10, $0x1;
	s10 =	sld [smem:$0x3FB8];
	_ =	sdelay $0x3  }
0x34: {  	[smem:$0x3FB8] =	sst s10  }
0x35: {  	s10 =	sld [smem:$0x3FB7];
	_ =	sdelay $0x3  }
0x36: {  	p1 =	seq.s32 s10, $0x1;
	s10 =	sld [smem:$0x3FB8];
	_ =	sdelay $0x3  }
0x37: {  	[smem:$0x3FB8] =	sst s10  }
0x38: {  	s10 =	sld [smem:$0x3FB9]  }
0x39: {  	_ = 	snop;
	(pc) =	sbr.ind lr, $3  }
0x3a: {  	_ = 	snop  }
0x3b: {  	_ = 	snop  }
0x3c: {  	p2 =	seq.s32 s10, $0x1;
	s10 =	sld [smem:$0x3FB8]  }
0x3d: {  	_ =	shalt  }
0x3e: {  	_ =	shalt  }
0x3f: {  	_ =	shalt  }
0x40: {  	_ =	shalt  }
0x41: {  	_ =	shalt  }
0x42: {  	_ =	shalt  }
0x43: {  	_ =	shalt  }
0x44: {  	_ =	shalt  }
0x45: {  	_ =	shalt  }
0x46: {  	_ =	shalt  }
0x47: {  	_ =	shalt  }
0x48: {  	_ =	shalt  }
0x49: {  	_ =	shalt  }
0x4a: {  	_ =	shalt  }
0x4b: {  	_ =	shalt  }
0x4c: {  	_ =	shalt  }
0x4d: {  	_ =	shalt  }
0x4e: {  	_ =	shalt  }
0x4f: {  	_ =	shalt  }
0x50: {  	_ =	shalt  }
0x51: {  	_ =	shalt  }
0x52: {  	_ =	shalt  }
0x53: {  	_ =	shalt  }
0x54: {  	_ =	shalt  }
0x55: {  	_ =	shalt  }
0x56: {  	_ =	shalt  }
0x57: {  	_ =	shalt  }
0x58: {  	_ =	shalt  }
0x59: {  	_ =	shalt  }
0x5a: {  	_ =	shalt  }
0x5b: {  	_ =	shalt  }
0x5c: {  	_ =	shalt  }
0x5d: {  	_ =	shalt  }
0x5e: {  	_ =	shalt  }
0x5f: {  	_ =	shalt  }
0x60: {  	_ =	shalt  }
0x61: {  	_ =	shalt  }
0x62: {  	_ =	shalt  }
0x63: {  	_ =	shalt  }
0x64: {  	_ =	shalt  }
0x65: {  	_ =	shalt  }
0x66: {  	_ =	shalt  }
0x67: {  	_ =	shalt  }
0x68: {  	_ =	shalt  }
0x69: {  	_ =	shalt  }
0x6a: {  	_ =	shalt  }
0x6b: {  	_ =	shalt  }
0x6c: {  	_ =	shalt  }
0x6d: {  	_ =	shalt  }
0x6e: {  	_ =	shalt  }
0x6f: {  	_ =	shalt  }
0x70: {  	_ =	shalt  }
0x71: {  	_ =	shalt  }
0x72: {  	_ =	shalt  }
0x73: {  	_ =	shalt  }
0x74: {  	_ =	shalt  }
0x75: {  	_ =	shalt  }
0x76: {  	_ =	shalt  }
0x77: {  	_ =	shalt  }
0x78: {  	_ =	shalt  }
0x79: {  	_ =	shalt  }
0x7a: {  	_ =	shalt  }
0x7b: {  	_ =	shalt  }
0x7c: {  	_ =	shalt  }
0x7d: {  	_ =	shalt  }
0x7e: {  	_ =	shalt  }
0x7f: {  	_ =	shalt  }
0x80: {  	_ =	shalt  }
0x81: {  	_ =	shalt  }
0x82: {  	_ =	shalt  }
0x83: {  	_ =	shalt  }
0x84: {  	_ =	shalt  }
0x85: {  	_ =	shalt  }
0x86: {  	_ =	shalt  }
0x87: {  	_ =	shalt  }
.Lfunc_end0:
.L_simem_size_0:
called_computation_lowered:
.L_overlay_start_0:
0x88: {  	s2 =	sld [smem:$0x3FD9]  }
0x89: {  	s3 =	sld [smem:$0x3FFE];
	_ =	sdelay $0x1  }
0x8a: {  	s1 =	srdreg.scid  }
0x8b: {  	s0 =	sand.u32 $0x1, s1  }
0x8c: {  	s18 =	sshll.u32 s0, $0xA;
	s2 =	sadd.s32 s3, s2  }
0x8d: {  	s2 =	sadd.s32 s2, s18  }
0x8e: {  	[smem:$0x3FC4] =	sst s2  }
0x8f: {  	_ = 	snop  }
0x90: {  	s2 =	sld [smem:$0x3FC9]  }
0x91: {  	s19 =	sld [smem:$0x3FC8]  }
0x92: {  	s4 =	sld [smem:$0x3FC7]  }
0x93: {  	s5 =	sld [smem:$0x3FC6]  }
0x94: {  	s6 =	sld [smem:$0x3FD0];
	(tm) =	ssettm $0x1  }
0x95: {  	s7 =	sld [smem:$0x3FFB];
	_ =	sdelay $0x3  }
0x96: {  	_ =	strace s7  }
0x97: {  	s7 =	sld [smem:$0x3FFC];
	_ =	sdelay $0x3  }
0x98: {  	_ =	strace s7  }
0x99: {  	s7 =	sld [smem:$0x3FFD];
	_ =	sdelay $0x3  }
0x9a: {  	_ =	strace s7  }
0x9b: {  	_ =	strace $0x8FFFFFFF  }
0x9c: {  	s20 =	sld [smem:$0x3FDB];
	_ =	sdelay $0x1  }
0x9d: {  	s8 =	simm.s32 $_scs_section_size  }
0x9e: {  	s9 =	simm.s32 $_size__tile_overlayer_lowered;
	s10 =	simm.s32 $_tile_overlayer_lowered  }
0x9f: {  	s23 =	simm.s32 $0x1BFF;
	s22 =	sshll.u32 s10, $0x1;
	s7 =	sadd.s32 s8, s20  }
0xa0: {  	s11 =	simm.s32 $0x0;
	s21 =	sshll.u32 s9, $0x1;
	s9 =	sadd.s32 s22, s7  }
0xa1: {  	[timem:s11], [sflag:s23] =	dma.local [hbm:s9], s21  }
0xa2: {  	_ =	swait.ge [sflag:s23], s21  }
0xa3: {  	s8 =	ssub.s32 $0x0, s21;
	[sflag:s23] =	ssyncset.done $0x0  }
0xa4: {  	[sflag:s23] =	ssyncadd.s32 s8;
	_ =	sdelay $0x1  }
0xa5: {  	s24 =	simm.s32 $0x1B8B  }
0xa6: {  	_ =	swait.ge [sflag:s24], $0x1  }
0xa7: {  	[sflag:s24] =	ssyncset.done $0x0  }
0xa8: {  	s25 =	simm.s32 $0x1B8E;
	[sflag:s24] =	ssyncadd.s32 $0xFFFFFFFF  }
0xa9: {  	s26 =	simm.s32 $execute0_lowered;
	[smem:$0x3FD2] =	sst s25  }
0xaa: {  	s8 =	sshll.u32 s26, $0x1;
	_ =	strace $0x80000046;
	[dreg:$0x1] =	wrdreg $0xFFFFFFFF  }
0xab: {  	s28 =	simm.s32 $_size_execute0_lowered;
	s7 =	sadd.s32 s7, s8;
	[dreg:$0x0] =	wrdreg $0x0  }
0xac: {  	s8 =	sshll.u32 s28, $0x1;
	[dreg:$0x2] =	wrdreg s7  }
0xad: {  	[dreg:$0x3] =	wrdreg s8  }
0xae: {  	[dreg:$0x4] =	wrdreg $0xC0  }
0xaf: {  	_ =	task [dreg:s11], $0x5FFFF  }
0xb0: {  	[dreg:$0x1] =	wrdreg $0xFFFFFFFF  }
0xb1: {  	[dreg:$0x0] =	wrdreg $0x60  }
0xb2: {  	[dreg:$0x2] =	wrdreg s2  }
0xb3: {  	[dreg:$0x3] =	wrdreg s19  }
0xb4: {  	[dreg:$0x4] =	wrdreg s4  }
0xb5: {  	[dreg:$0x5] =	wrdreg s5  }
0xb6: {  	[dreg:$0x6] =	wrdreg s6  }
0xb7: {  	[dreg:$0x7] =	wrdreg $0x9  }
0xb8: {  	_ =	task.clear_ibuf [dreg:s11], $0x8FFFF;
	_ =	strace $0x90000046  }
0xb9: {  	s29 =	simm.s32 $0x9;
	_ =	strace $0x80000048  }
0xba: {  	_ =	swait.ge [sflag:s29], $0x1  }
0xbb: {  	[sflag:s29] =	ssyncadd.s32 $0xFFFFFFFF  }
0xbc: {  	_ =	strace $0x90000048  }
0xbd: {  	_ =	sfence  }
0xbe: {  	s30 =	sld [smem:$0x0];
	_ =	sdelay $0x2  }
0xbf: {  	s31 =	sshll.u32 s1, $0xD;
	s1 =	sshrl.u32 s1, $0x2  }
0xc0: {  	s3 =	sand.u32 $0x4000, s31;
	s1 =	sadd.s32 s1, s30  }
0xc1: {  	s0 =	sor.u32 s3, s0;
	s1 =	sshll.u32 s1, $0x11  }
0xc2: {  	s0 =	sor.u32 s1, s0  }
0xc3: {  	s0 =	sadd.s32 $0x8F2B, s0  }
0xc4: {  	[sflag:s0] =	ssyncadd.remote.s32 $0x1  }
0xc5: {  	_ =	sfence.sel $0xFFFF  }
0xc6: {  	[dreg:$0x0] =	wrdreg $0xFFFFFFFF;
	(pc) =	sbr.abs _section_cstart, $3  }
0xc7: {  	[dreg:$0x1] =	wrdreg $0xFFFFFFFF  }
0xc8: {  	_ =	task.clear_ibuf [dreg:s11], $0x2FFFF;
	_ =	strace $0x9FFFFFFF  }
0xc9: {  	(tm) =	ssettm $0x7FFFFFFF  }
tec
execute0_lowered:
.L_overlay_start_1:
0x0: {  	(tag) =	ssettag $0x1  }
0x1: {  	s0 =	rddreg [dreg:$0x0];
	s1 =	srdreg.scid  }
0x2: {  	s2 =	rddreg [dreg:$0x1];
	s7 =	stileid.u32  }
0x3: {  	s28 =	simm.s32 $0xBD00;
	s29 =	simm.s32 $0xC500;
	s30 =	simm.s32 $0xCD00  }
0x4: {  	s22 =	simm.s32 $0xD500;
	s31 =	simm.s32 $0x1;
	s3 =	sand.u32 $0x1, s1  }
0x5: {  	s1 =	rddreg [dreg:$0x2];
	s4 =	sshll.u32 s7, $0xA;
	s7 =	sshll.u32 s7, $0x5  }
0x6: {  	s5 =	sshll.u32 s3, $0x9;
	s3 =	ssub.s32 $0x2, s3;
	s9 =	sadd.s32 $0x100, s1  }
0x7: {  	s10 =	sadd.s32 $0x200, s1;
	s11 =	sadd.s32 $0x300, s1;
	s12 =	sadd.s32 $0x400, s1  }
0x8: {  	s13 =	sadd.s32 $0x500, s1;
	s14 =	sadd.s32 $0x600, s1;
	s15 =	sadd.s32 $0x700, s1  }
0x9: {  	s4 =	sor.u32 s5, s4;
	s5 =	rddreg [dreg:$0x4];
	s8 =	sshrl.u32 s3, $0x1  }
0xa: {  	s6 =	sshll.u32 s4, $0x2;
	s3 =	ssub.s32 s3, s8;
	s24 =	sshll.u32 s4, $0x8  }
0xb: {  	s8 =	simm.s32 $0x0;
	s7 =	sor.u32 s7, s6;
	s6 =	simm.s32 $0x0  }
0xc: {  	s26 =	smax.u32 s3, $0x1;
	s7 =	sand.u32 $0x3980, s7;
	[smem:$0x7FF] =	sst s6  }
0xd: {  	s7 =	sshrl.u32 s7, $0x3;
	_ =	strace $0x80000047;
	[dreg:$0xa] =	wrdreg s26  }
.Ltmp0:
0xe: {  	s26 =	simm.s32 $0xB500;
	s0 =	sadd.s32 s0, s7;
	(pc) =	sbr.rel .LBB2_1-.Ltmp0, $4  }
0xf: {  	s23 =	sadd.s32 s2, s7;
	[dreg:$0x6] =	wrdreg s0;
	s0 =	sadd.s32 s24, s5  }
0x10: {  	v2 =	vlaneseq.u32;
	v3 =	vimm.f32 $1.000000000e+00;
	s2 =	simm.s32 $0x3;
	[dreg:$0x7] =	wrdreg s23;
	s25 =	sadd.s32 $0x1E000, s0  }
0x11: {  	vm0 =	vmmov $0xffff;
	v1 =	vshrl.u32 v2, $0x3;
	v0 =	vand.u32 $0x7, v2;
	s24 =	simm.s32 $0xD00;
	s0 =	sadd.s32 $0x1F800, s0;
	[dreg:$0x8] =	wrdreg s25  }
0x12: {  	v2 =	vor.u32 $0x8, v2;
	v3 =	vand.u32 $0x7FFFFFFF, v3;
	v1 =	vmul.u32 $0x8, v1;
	[dreg:$0x9] =	wrdreg s0;
	s25 =	simm.s32 $0xAD00;
	s0 =	simm.s32 $0x2  }
.LBB2_27:
0x13: {  	s3 =	rddreg [dreg:$0x9]  }
0x14: {  	[hbm4b:s3+s6] =	stream.linear.scatter [tilespmem:s30], [sflag:$0x4], $0x4000, $0x38;
	[tilespmem:$0x18D00] =	vst v63  }
0x15: {  	_ =	swait.ge [sflag:s2], $0xC000  }
0x16: {  	[sflag:s2] =	ssyncset.done $0x0  }
0x17: {  	s7 =	simm.s32 $0x4;
	[sflag:s2] =	ssyncadd.s32 $0xFFFF4000  }
0x18: {  	_ =	swait.ge [sflag:s7], $0x4000  }
0x19: {  	s8 =	rddreg [dreg:$0xb]  }
0x1a: {  	s23 =	rddreg [dreg:$0xa];
	s8 =	sadd.s32 $0x1, s8  }
0x1b: {  	p0 =	sne.s32 s8, s23  }
.Ltmp1:
0x1c: {  	_ = 	snop;
	(pc) =	sbr.rel @!p0 .LBB2_28-.Ltmp1, $3  }
0x1d: {  	_ =	sdelay $0x1  }
0x1e: {  	[sflag:s7] =	ssyncset.done $0x0  }
0x1f: {  	[sflag:s7] =	ssyncadd.s32 $0xFFFFC000  }
.LBB2_1:
0x20: {  	[dreg:$0xb] =	wrdreg s8  }
0x21: {  	s3 =	rddreg [dreg:$0x6]  }
0x22: {  	s7 =	simm.s32 $0x80;
	s23 =	simm.s32 $0x200;
	s16 =	simm.s32 $0x6  }
0x23: {  	[tilespmem:s6], [sflag:$0x6] =	stream.strided.gather [hbm4b:s3+s7], $0x200, s23, s7, $0x38;
	[tilespmem:$0x18D00] =	vst v63  }
0x24: {  	_ =	swait.ge [sflag:s16], $0x200  }
0x25: {  	[sflag:s16] =	ssyncset.done $0x0  }
0x26: {  	s17 =	rddreg [dreg:$0x7];
	[sflag:s16] =	ssyncadd.s32 $0xFFFFFE00;
	s16 =	simm.s32 $0x280  }
0x27: {  	[tilespmem:s16], [sflag:$0x5] =	stream.strided.gather [hbm4b:s17+s7], $0x200, s23, s7, $0x38;
	[tilespmem:$0x18D00] =	vst v63  }
0x28: {  	s19 =	simm.s32 $0x500;
	s18 =	rddreg [dreg:$0x3]  }
0x29: {  	[tilespmem:s19], [sflag:$0x5] =	stream.linear.gather [hbm4b:s18+s6], $0x800, $0x38;
	[tilespmem:$0x18D00] =	vst v63  }
0x2a: {  	v4 =	vld [tilespmem:$0x0];
	_ =	sdelay $0x4  }
0x2b: {  	v5 =	vshll.u32 v4, $0x4  }
0x2c: {  	v4 =	vand.u32 $0x7, v4;
	v5 =	vand.u32 $0xFFFFFF80, v5  }
0x2d: {  	v4 =	vor.u32 v4, v5  }
0x2e: {  	v5 =	vperm.xlane v4, v0;
	_ =	sdelay $0x1  }
0x2f: {  	v5 =	vadd.s32 v1, v5;
	_ =	sdelay $0x4  }
0x30: {  	[tilespmem:s24], [sflag:$0x1] =	stream.indirect_vreg.gather [hbm4b:s1+s6], $0x80, v5, vm0, $0xb8;
	[tilespmem:$0x18D00] =	vst v63  }
0x31: {  	s20 =	simm.s32 $0x1500  }
0x32: {  	[tilespmem:s20], [sflag:$0x1] =	stream.indirect_vreg.gather [hbm4b:s9+s6], $0x80, v5, vm0, $0xb8;
	[tilespmem:$0x18D00] =	vst v63  }
0x33: {  	s21 =	simm.s32 $0x1D00  }
0x34: {  	[tilespmem:s21], [sflag:$0x1] =	stream.indirect_vreg.gather [hbm4b:s10+s6], $0x80, v5, vm0, $0xb8;
	[tilespmem:$0x18D00] =	vst v63  }
0x35: {  	s23 =	simm.s32 $0x2500  }
0x36: {  	[tilespmem:s23], [sflag:$0x1] =	stream.indirect_vreg.gather [hbm4b:s11+s6], $0x80, v5, vm0, $0xb8;
	[tilespmem:$0x18D00] =	vst v63  }
0x37: {  	s7 =	simm.s32 $0x2D00  }
0x38: {  	[tilespmem:s7], [sflag:$0x1] =	stream.indirect_vreg.gather [hbm4b:s12+s6], $0x80, v5, vm0, $0xb8;
	[tilespmem:$0x18D00] =	vst v63  }
0x39: {  	s8 =	simm.s32 $0x3500;
	v4 =	vperm.xlane v4, v2  }
0x3a: {  	[tilespmem:s8], [sflag:$0x1] =	stream.indirect_vreg.gather [hbm4b:s13+s6], $0x80, v5, vm0, $0xb8;
	[tilespmem:$0x18D00] =	vst v63  }
0x3b: {  	s16 =	simm.s32 $0x3D00;
	v4 =	vadd.s32 v1, v4  }
0x3c: {  	[tilespmem:s16], [sflag:$0x1] =	stream.indirect_vreg.gather [hbm4b:s14+s6], $0x80, v5, vm0, $0xb8;
	[tilespmem:$0x18D00] =	vst v63  }
0x3d: {  	s17 =	simm.s32 $0x4500  }
0x3e: {  	[tilespmem:s17], [sflag:$0x1] =	stream.indirect_vreg.gather [hbm4b:s15+s6], $0x80, v5, vm0, $0xb8;
	[tilespmem:$0x18D00] =	vst v63  }
0x3f: {  	s18 =	simm.s32 $0x4D00  }
0x40: {  	[tilespmem:s18], [sflag:$0x1] =	stream.indirect_vreg.gather [hbm4b:s1+s6], $0x80, v4, vm0, $0xb8;
	[tilespmem:$0x18D00] =	vst v63  }
0x41: {  	s19 =	simm.s32 $0x5500  }
0x42: {  	[tilespmem:s19], [sflag:$0x1] =	stream.indirect_vreg.gather [hbm4b:s9+s6], $0x80, v4, vm0, $0xb8;
	[tilespmem:$0x18D00] =	vst v63  }
0x43: {  	s20 =	simm.s32 $0x5D00  }
0x44: {  	[tilespmem:s20], [sflag:$0x1] =	stream.indirect_vreg.gather [hbm4b:s10+s6], $0x80, v4, vm0, $0xb8;
	[tilespmem:$0x18D00] =	vst v63  }
0x45: {  	s21 =	simm.s32 $0x6500  }
0x46: {  	[tilespmem:s21], [sflag:$0x1] =	stream.indirect_vreg.gather [hbm4b:s11+s6], $0x80, v4, vm0, $0xb8;
	[tilespmem:$0x18D00] =	vst v63  }
0x47: {  	s23 =	simm.s32 $0x6D00  }
0x48: {  	[tilespmem:s23], [sflag:$0x1] =	stream.indirect_vreg.gather [hbm4b:s12+s6], $0x80, v4, vm0, $0xb8;
	[tilespmem:$0x18D00] =	vst v63  }
0x49: {  	s7 =	simm.s32 $0x7500  }
0x4a: {  	[tilespmem:s7], [sflag:$0x1] =	stream.indirect_vreg.gather [hbm4b:s13+s6], $0x80, v4, vm0, $0xb8;
	[tilespmem:$0x18D00] =	vst v63  }
0x4b: {  	s8 =	simm.s32 $0x7D00  }
0x4c: {  	[tilespmem:s8], [sflag:$0x1] =	stream.indirect_vreg.gather [hbm4b:s14+s6], $0x80, v4, vm0, $0xb8;
	[tilespmem:$0x18D00] =	vst v63  }
0x4d: {  	s16 =	simm.s32 $0x8500  }
0x4e: {  	[tilespmem:s16], [sflag:$0x1] =	stream.indirect_vreg.gather [hbm4b:s15+s6], $0x80, v4, vm0, $0xb8;
	[tilespmem:$0x18D00] =	vst v63  }
0x4f: {  	v4 =	vld.msk [tilespmem:$0x10], $0xff;
	_ =	sdelay $0x4  }
0x50: {  	v5 =	vshll.u32 v4, $0x4  }
0x51: {  	v4 =	vand.u32 $0x7, v4;
	v5 =	vand.u32 $0xFFFFFF80, v5  }
0x52: {  	v4 =	vor.u32 v4, v5  }
0x53: {  	v4 =	vperm.xlane v4, v0;
	_ =	sdelay $0x1  }
0x54: {  	v4 =	vadd.s32 v1, v4;
	_ =	sdelay $0x3  }
0x55: {  	s17 =	simm.s32 $0x8D00  }
0x56: {  	[tilespmem:s17], [sflag:$0x1] =	stream.indirect_vreg.gather [hbm4b:s1+s6], $0x80, v4, vm0, $0xb8;
	[tilespmem:$0x18D00] =	vst v63  }
0x57: {  	s18 =	simm.s32 $0x9500  }
0x58: {  	[tilespmem:s18], [sflag:$0x1] =	stream.indirect_vreg.gather [hbm4b:s9+s6], $0x80, v4, vm0, $0xb8;
	[tilespmem:$0x18D00] =	vst v63  }
0x59: {  	s19 =	simm.s32 $0x9D00  }
0x5a: {  	[tilespmem:s19], [sflag:$0x1] =	stream.indirect_vreg.gather [hbm4b:s10+s6], $0x80, v4, vm0, $0xb8;
	[tilespmem:$0x18D00] =	vst v63  }
0x5b: {  	s20 =	simm.s32 $0xA500  }
0x5c: {  	[tilespmem:s20], [sflag:$0x1] =	stream.indirect_vreg.gather [hbm4b:s11+s6], $0x80, v4, vm0, $0xb8;
	[tilespmem:$0x18D00] =	vst v63  }
0x5d: {  	_ = 	snop  }
0x5e: {  	[tilespmem:s25], [sflag:$0x1] =	stream.indirect_vreg.gather [hbm4b:s12+s6], $0x80, v4, vm0, $0xb8;
	[tilespmem:$0x18D00] =	vst v63  }
0x5f: {  	_ = 	snop  }
0x60: {  	[tilespmem:s26], [sflag:$0x1] =	stream.indirect_vreg.gather [hbm4b:s13+s6], $0x80, v4, vm0, $0xb8;
	[tilespmem:$0x18D00] =	vst v63  }
0x61: {  	_ = 	snop  }
0x62: {  	[tilespmem:s28], [sflag:$0x1] =	stream.indirect_vreg.gather [hbm4b:s14+s6], $0x80, v4, vm0, $0xb8;
	[tilespmem:$0x18D00] =	vst v63  }
0x63: {  	_ = 	snop  }
0x64: {  	[tilespmem:s29], [sflag:$0x1] =	stream.indirect_vreg.gather [hbm4b:s15+s6], $0x80, v4, vm0, $0xb8;
	[tilespmem:$0x18D00] =	vst v63  }
0x65: {  	v4 =	vld [tilespmem:$0x18];
	_ =	sdelay $0x4  }
0x66: {  	v5 =	vshll.u32 v4, $0x4  }
0x67: {  	v4 =	vand.u32 $0x7, v4;
	v5 =	vand.u32 $0xFFFFFF80, v5  }
0x68: {  	v4 =	vor.u32 v4, v5  }
0x69: {  	v5 =	vperm.xlane v4, v0;
	_ =	sdelay $0x1  }
0x6a: {  	v5 =	vadd.s32 v1, v5;
	_ =	sdelay $0x4  }
0x6b: {  	[tilespmem:s30], [sflag:$0x2] =	stream.indirect_vreg.gather [hbm4b:s1+s6], $0x80, v5, vm0, $0xb8;
	[tilespmem:$0x18D00] =	vst v63  }
0x6c: {  	_ = 	snop  }
0x6d: {  	[tilespmem:s22], [sflag:$0x2] =	stream.indirect_vreg.gather [hbm4b:s9+s6], $0x80, v5, vm0, $0xb8;
	[tilespmem:$0x18D00] =	vst v63  }
0x6e: {  	s21 =	simm.s32 $0xDD00  }
0x6f: {  	[tilespmem:s21], [sflag:$0x2] =	stream.indirect_vreg.gather [hbm4b:s10+s6], $0x80, v5, vm0, $0xb8;
	[tilespmem:$0x18D00] =	vst v63  }
0x70: {  	s22 =	simm.s32 $0xE500  }
0x71: {  	[tilespmem:s22], [sflag:$0x2] =	stream.indirect_vreg.gather [hbm4b:s11+s6], $0x80, v5, vm0, $0xb8;
	[tilespmem:$0x18D00] =	vst v63  }
0x72: {  	s23 =	simm.s32 $0xED00  }
0x73: {  	[tilespmem:s23], [sflag:$0x2] =	stream.indirect_vreg.gather [hbm4b:s12+s6], $0x80, v5, vm0, $0xb8;
	[tilespmem:$0x18D00] =	vst v63  }
0x74: {  	s7 =	simm.s32 $0xF500;
	v4 =	vperm.xlane v4, v2  }
0x75: {  	[tilespmem:s7], [sflag:$0x2] =	stream.indirect_vreg.gather [hbm4b:s13+s6], $0x80, v5, vm0, $0xb8;
	[tilespmem:$0x18D00] =	vst v63  }
0x76: {  	s8 =	simm.s32 $0xFD00;
	v4 =	vadd.s32 v1, v4  }
0x77: {  	[tilespmem:s8], [sflag:$0x2] =	stream.indirect_vreg.gather [hbm4b:s14+s6], $0x80, v5, vm0, $0xb8;
	[tilespmem:$0x18D00] =	vst v63  }
0x78: {  	s16 =	simm.s32 $0x10500  }
0x79: {  	[tilespmem:s16], [sflag:$0x2] =	stream.indirect_vreg.gather [hbm4b:s15+s6], $0x80, v5, vm0, $0xb8;
	[tilespmem:$0x18D00] =	vst v63  }
0x7a: {  	s17 =	simm.s32 $0x10D00  }
0x7b: {  	[tilespmem:s17], [sflag:$0x2] =	stream.indirect_vreg.gather [hbm4b:s1+s6], $0x80, v4, vm0, $0xb8;
	[tilespmem:$0x18D00] =	vst v63  }
0x7c: {  	s18 =	simm.s32 $0x11500  }
0x7d: {  	[tilespmem:s18], [sflag:$0x2] =	stream.indirect_vreg.gather [hbm4b:s9+s6], $0x80, v4, vm0, $0xb8;
	[tilespmem:$0x18D00] =	vst v63  }
0x7e: {  	s19 =	simm.s32 $0x11D00  }
0x7f: {  	[tilespmem:s19], [sflag:$0x2] =	stream.indirect_vreg.gather [hbm4b:s10+s6], $0x80, v4, vm0, $0xb8;
	[tilespmem:$0x18D00] =	vst v63  }
0x80: {  	s20 =	simm.s32 $0x12500  }
0x81: {  	[tilespmem:s20], [sflag:$0x2] =	stream.indirect_vreg.gather [hbm4b:s11+s6], $0x80, v4, vm0, $0xb8;
	[tilespmem:$0x18D00] =	vst v63  }
0x82: {  	s21 =	simm.s32 $0x12D00  }
0x83: {  	[tilespmem:s21], [sflag:$0x2] =	stream.indirect_vreg.gather [hbm4b:s12+s6], $0x80, v4, vm0, $0xb8;
	[tilespmem:$0x18D00] =	vst v63  }
0x84: {  	s22 =	simm.s32 $0x13500  }
0x85: {  	[tilespmem:s22], [sflag:$0x2] =	stream.indirect_vreg.gather [hbm4b:s13+s6], $0x80, v4, vm0, $0xb8;
	[tilespmem:$0x18D00] =	vst v63  }
0x86: {  	s23 =	simm.s32 $0x13D00  }
0x87: {  	[tilespmem:s23], [sflag:$0x2] =	stream.indirect_vreg.gather [hbm4b:s14+s6], $0x80, v4, vm0, $0xb8;
	[tilespmem:$0x18D00] =	vst v63  }
0x88: {  	s7 =	simm.s32 $0x14500  }
0x89: {  	[tilespmem:s7], [sflag:$0x2] =	stream.indirect_vreg.gather [hbm4b:s15+s6], $0x80, v4, vm0, $0xb8;
	[tilespmem:$0x18D00] =	vst v63  }
0x8a: {  	v4 =	vld.msk [tilespmem:$0x28], $0xff;
	_ =	sdelay $0x4  }
0x8b: {  	v5 =	vshll.u32 v4, $0x4  }
0x8c: {  	v4 =	vand.u32 $0x7, v4;
	v5 =	vand.u32 $0xFFFFFF80, v5  }
0x8d: {  	v4 =	vor.u32 v4, v5  }
0x8e: {  	v4 =	vperm.xlane v4, v0;
	_ =	sdelay $0x1  }
0x8f: {  	v4 =	vadd.s32 v1, v4;
	_ =	sdelay $0x3  }
0x90: {  	s8 =	simm.s32 $0x14D00  }
0x91: {  	[tilespmem:s8], [sflag:$0x2] =	stream.indirect_vreg.gather [hbm4b:s1+s6], $0x80, v4, vm0, $0xb8;
	[tilespmem:$0x18D00] =	vst v63  }
0x92: {  	s16 =	simm.s32 $0x15500  }
0x93: {  	[tilespmem:s16], [sflag:$0x2] =	stream.indirect_vreg.gather [hbm4b:s9+s6], $0x80, v4, vm0, $0xb8;
	[tilespmem:$0x18D00] =	vst v63  }
0x94: {  	s17 =	simm.s32 $0x15D00  }
0x95: {  	[tilespmem:s17], [sflag:$0x2] =	stream.indirect_vreg.gather [hbm4b:s10+s6], $0x80, v4, vm0, $0xb8;
	[tilespmem:$0x18D00] =	vst v63  }
0x96: {  	s18 =	simm.s32 $0x16500  }
0x97: {  	[tilespmem:s18], [sflag:$0x2] =	stream.indirect_vreg.gather [hbm4b:s11+s6], $0x80, v4, vm0, $0xb8;
	[tilespmem:$0x18D00] =	vst v63  }
0x98: {  	s19 =	simm.s32 $0x16D00  }
0x99: {  	[tilespmem:s19], [sflag:$0x2] =	stream.indirect_vreg.gather [hbm4b:s12+s6], $0x80, v4, vm0, $0xb8;
	[tilespmem:$0x18D00] =	vst v63  }
0x9a: {  	s20 =	simm.s32 $0x17500  }
0x9b: {  	[tilespmem:s20], [sflag:$0x2] =	stream.indirect_vreg.gather [hbm4b:s13+s6], $0x80, v4, vm0, $0xb8;
	[tilespmem:$0x18D00] =	vst v63  }
0x9c: {  	s21 =	simm.s32 $0x17D00  }
0x9d: {  	[tilespmem:s21], [sflag:$0x2] =	stream.indirect_vreg.gather [hbm4b:s14+s6], $0x80, v4, vm0, $0xb8;
	[tilespmem:$0x18D00] =	vst v63  }
0x9e: {  	s22 =	simm.s32 $0x18500;
	s23 =	simm.s32 $0x5  }
0x9f: {  	[tilespmem:s22], [sflag:$0x2] =	stream.indirect_vreg.gather [hbm4b:s15+s6], $0x80, v4, vm0, $0xb8;
	[tilespmem:$0x18D00] =	vst v63  }
0xa0: {  	_ =	swait.ge [sflag:s23], $0x200  }
.Ltmp2:
0xa1: {  	[sflag:s23] =	ssyncset.done $0x0;
	(pc) =	sbr.rel .LBB2_2-.Ltmp2, $4  }
0xa2: {  	[sflag:s23] =	ssyncadd.s32 $0xFFFFFE00  }
0xa3: {  	_ =	swait.ge [sflag:s23], $0x800  }
0xa4: {  	[sflag:s23] =	ssyncset.done $0x0  }
0xa5: {  	s3 =	simm.s32 $0x0;
	[sflag:s23] =	ssyncadd.s32 $0xFFFFF800  }
.LBB2_14:
0xa6: {  	s7 =	sadd.s32 s4, s7  }
0xa7: {  	s7 =	sshll.u32 s7, $0x8  }
0xa8: {  	p0 =	seq.s32 s3, $0x9;
	s7 =	sadd.s32 s5, s7  }
0xa9: {  	[hbm4b:s7+s6] =	stream.linear.scatter [tilespmem:s30], [sflag:$0x4], $0xC000, $0x38;
	[tilespmem:$0x18D00] =	vst v63  }
0xaa: {  	s7 =	simm.s32 @!p0 $0x4  }
0xab: {  	_ =	swait.ge @!p0 [sflag:s7], $0xC000  }
0xac: {  	[sflag:s7] =	ssyncset.done @!p0 $0x0  }
0xad: {  	[sflag:s7] =	ssyncadd.s32 @!p0 $0xFFFF4000  }
0xae: {  	v4 =	vld @!p0 [tilespmem:s22+$0x48];
	_ =	sdelay $0x4  }
0xaf: {  	v5 =	vshll.u32 @!p0 v4, $0x4  }
0xb0: {  	v6 =	vlaneseq.u32 @!p0;
	v4 =	vand.u32 @!p0 $0x7, v4;
	v5 =	vand.u32 @!p0 $0xFFFFFF80, v5  }
0xb1: {  	v7 =	vshrl.u32 @!p0 v6, $0x3;
	v4 =	vor.u32 @!p0 v4, v5;
	v5 =	vand.u32 @!p0 $0x7, v6  }
0xb2: {  	v7 =	vmul.u32 @!p0 $0x8, v7;
	v8 =	vperm.xlane @!p0 v4, v5;
	_ =	sdelay $0x1  }
0xb3: {  	v8 =	vadd.s32 @!p0 v7, v8;
	_ =	sdelay $0x3  }
0xb4: {  	vm1 =	vmmov @!p0 $0xffff;
	s8 =	simm.s32 @!p0 $0xCD00;
	s7 =	simm.s32 @!p0 $0x0  }
0xb5: {  	[tilespmem:s8], [sflag:$0x2] =	stream.indirect_vreg.gather @!p0 [hbm4b:s1+s7], $0x80, v8, vm1, $0xb8;
	[tilespmem:$0x18D00] =	vst v63  }
0xb6: {  	s8 =	simm.s32 @!p0 $0xD500  }
0xb7: {  	[tilespmem:s8], [sflag:$0x2] =	stream.indirect_vreg.gather @!p0 [hbm4b:s9+s7], $0x80, v8, vm1, $0xb8;
	[tilespmem:$0x18D00] =	vst v63  }
0xb8: {  	s8 =	simm.s32 @!p0 $0xDD00  }
0xb9: {  	[tilespmem:s8], [sflag:$0x2] =	stream.indirect_vreg.gather @!p0 [hbm4b:s10+s7], $0x80, v8, vm1, $0xb8;
	[tilespmem:$0x18D00] =	vst v63  }
0xba: {  	s8 =	simm.s32 @!p0 $0xE500  }
0xbb: {  	[tilespmem:s8], [sflag:$0x2] =	stream.indirect_vreg.gather @!p0 [hbm4b:s11+s7], $0x80, v8, vm1, $0xb8;
	[tilespmem:$0x18D00] =	vst v63  }
0xbc: {  	s8 =	simm.s32 @!p0 $0xED00  }
0xbd: {  	v6 =	vor.u32 @!p0 $0x8, v6;
	[tilespmem:s8], [sflag:$0x2] =	stream.indirect_vreg.gather @!p0 [hbm4b:s12+s7], $0x80, v8, vm1, $0xb8;
	[tilespmem:$0x18D00] =	vst v63  }
0xbe: {  	v4 =	vperm.xlane @!p0 v4, v6;
	s8 =	simm.s32 @!p0 $0xF500  }
0xbf: {  	[tilespmem:s8], [sflag:$0x2] =	stream.indirect_vreg.gather @!p0 [hbm4b:s13+s7], $0x80, v8, vm1, $0xb8;
	[tilespmem:$0x18D00] =	vst v63  }
0xc0: {  	v4 =	vadd.s32 @!p0 v7, v4;
	s8 =	simm.s32 @!p0 $0xFD00  }
0xc1: {  	[tilespmem:s8], [sflag:$0x2] =	stream.indirect_vreg.gather @!p0 [hbm4b:s14+s7], $0x80, v8, vm1, $0xb8;
	[tilespmem:$0x18D00] =	vst v63  }
0xc2: {  	s8 =	simm.s32 @!p0 $0x10500  }
0xc3: {  	[tilespmem:s8], [sflag:$0x2] =	stream.indirect_vreg.gather @!p0 [hbm4b:s15+s7], $0x80, v8, vm1, $0xb8;
	[tilespmem:$0x18D00] =	vst v63  }
0xc4: {  	s8 =	simm.s32 @!p0 $0x10D00  }
0xc5: {  	[tilespmem:s8], [sflag:$0x2] =	stream.indirect_vreg.gather @!p0 [hbm4b:s1+s7], $0x80, v4, vm1, $0xb8;
	[tilespmem:$0x18D00] =	vst v63  }
0xc6: {  	s8 =	simm.s32 @!p0 $0x11500  }
0xc7: {  	[tilespmem:s8], [sflag:$0x2] =	stream.indirect_vreg.gather @!p0 [hbm4b:s9+s7], $0x80, v4, vm1, $0xb8;
	[tilespmem:$0x18D00] =	vst v63  }
0xc8: {  	s8 =	simm.s32 @!p0 $0x11D00  }
0xc9: {  	[tilespmem:s8], [sflag:$0x2] =	stream.indirect_vreg.gather @!p0 [hbm4b:s10+s7], $0x80, v4, vm1, $0xb8;
	[tilespmem:$0x18D00] =	vst v63  }
0xca: {  	s8 =	simm.s32 @!p0 $0x12500  }
0xcb: {  	[tilespmem:s8], [sflag:$0x2] =	stream.indirect_vreg.gather @!p0 [hbm4b:s11+s7], $0x80, v4, vm1, $0xb8;
	[tilespmem:$0x18D00] =	vst v63  }
0xcc: {  	s8 =	simm.s32 @!p0 $0x12D00  }
0xcd: {  	[tilespmem:s8], [sflag:$0x2] =	stream.indirect_vreg.gather @!p0 [hbm4b:s12+s7], $0x80, v4, vm1, $0xb8;
	[tilespmem:$0x18D00] =	vst v63  }
0xce: {  	s8 =	simm.s32 @!p0 $0x13500  }
0xcf: {  	[tilespmem:s8], [sflag:$0x2] =	stream.indirect_vreg.gather @!p0 [hbm4b:s13+s7], $0x80, v4, vm1, $0xb8;
	[tilespmem:$0x18D00] =	vst v63  }
0xd0: {  	s8 =	simm.s32 @!p0 $0x13D00  }
0xd1: {  	[tilespmem:s8], [sflag:$0x2] =	stream.indirect_vreg.gather @!p0 [hbm4b:s14+s7], $0x80, v4, vm1, $0xb8;
	[tilespmem:$0x18D00] =	vst v63  }
0xd2: {  	s8 =	simm.s32 @!p0 $0x14500  }
0xd3: {  	[tilespmem:s8], [sflag:$0x2] =	stream.indirect_vreg.gather @!p0 [hbm4b:s15+s7], $0x80, v4, vm1, $0xb8;
	[tilespmem:$0x18D00] =	vst v63  }
0xd4: {  	v4 =	vld.msk @!p0 [tilespmem:s22+$0x58], $0xff;
	_ =	sdelay $0x4  }
0xd5: {  	v6 =	vshll.u32 @!p0 v4, $0x4  }
0xd6: {  	v4 =	vand.u32 @!p0 $0x7, v4;
	v6 =	vand.u32 @!p0 $0xFFFFFF80, v6  }
0xd7: {  	v4 =	vor.u32 @!p0 v4, v6  }
0xd8: {  	v4 =	vperm.xlane @!p0 v4, v5;
	_ =	sdelay $0x1  }
0xd9: {  	v4 =	vadd.s32 @!p0 v7, v4;
	_ =	sdelay $0x3  }
0xda: {  	s8 =	simm.s32 @!p0 $0x14D00  }
0xdb: {  	[tilespmem:s8], [sflag:$0x2] =	stream.indirect_vreg.gather @!p0 [hbm4b:s1+s7], $0x80, v4, vm1, $0xb8;
	[tilespmem:$0x18D00] =	vst v63  }
0xdc: {  	s8 =	simm.s32 @!p0 $0x15500  }
0xdd: {  	[tilespmem:s8], [sflag:$0x2] =	stream.indirect_vreg.gather @!p0 [hbm4b:s9+s7], $0x80, v4, vm1, $0xb8;
	[tilespmem:$0x18D00] =	vst v63  }
0xde: {  	s8 =	simm.s32 @!p0 $0x15D00  }
0xdf: {  	[tilespmem:s8], [sflag:$0x2] =	stream.indirect_vreg.gather @!p0 [hbm4b:s10+s7], $0x80, v4, vm1, $0xb8;
	[tilespmem:$0x18D00] =	vst v63  }
0xe0: {  	s8 =	simm.s32 @!p0 $0x16500  }
0xe1: {  	[tilespmem:s8], [sflag:$0x2] =	stream.indirect_vreg.gather @!p0 [hbm4b:s11+s7], $0x80, v4, vm1, $0xb8;
	[tilespmem:$0x18D00] =	vst v63  }
0xe2: {  	s8 =	simm.s32 @!p0 $0x16D00  }
0xe3: {  	[tilespmem:s8], [sflag:$0x2] =	stream.indirect_vreg.gather @!p0 [hbm4b:s12+s7], $0x80, v4, vm1, $0xb8;
	[tilespmem:$0x18D00] =	vst v63  }
0xe4: {  	s8 =	simm.s32 @!p0 $0x17500  }
0xe5: {  	[tilespmem:s8], [sflag:$0x2] =	stream.indirect_vreg.gather @!p0 [hbm4b:s13+s7], $0x80, v4, vm1, $0xb8;
	[tilespmem:$0x18D00] =	vst v63  }
0xe6: {  	s3 =	sadd.s32 @!p0 $0x1, s3;
	s8 =	simm.s32 @!p0 $0x17D00  }
0xe7: {  	[tilespmem:s8], [sflag:$0x2] =	stream.indirect_vreg.gather @!p0 [hbm4b:s14+s7], $0x80, v4, vm1, $0xb8;
	[tilespmem:$0x18D00] =	vst v63  }
0xe8: {  	p1 =	sne.s32 @!p0 s3, $0xA;
	s8 =	simm.s32 @!p0 $0x18500  }
0xe9: {  	[tilespmem:s8], [sflag:$0x2] =	stream.indirect_vreg.gather @!p0 [hbm4b:s15+s7], $0x80, v4, vm1, $0xb8;
	[tilespmem:$0x18D00] =	vst v63  }
0xea: {  	p0 =	por p0, !p1  }
.Ltmp3:
0xeb: {  	_ = 	snop;
	(pc) =	sbr.rel @p0 .LBB2_15-.Ltmp3, $1  }
0xec: {  	_ =	sdelay $0x3  }
.LBB2_2:
.Ltmp4:
0xed: {  	(pc) =	sbr.rel .LBB2_3-.Ltmp4, $4  }
0xee: {  	_ = 	snop  }
0xef: {  	s22 =	smul.u32 $0x30, s3;
	_ =	swait.ge [sflag:s31], $0xC000  }
0xf0: {  	[sflag:s31] =	ssyncset.done $0x0  }
0xf1: {  	s7 =	simm.s32 $0x0;
	[sflag:s31] =	ssyncadd.s32 $0xFFFF4000;
	v4 =	vmov s22  }
.LBB2_6:
0xf2: {  	s17 =	sshrl.u32 s18, $0x2;
	[tilespmem:s16+$0x0] =	vst v6;
	s21 =	sadd.s32 $0x10, s19  }
0xf3: {  	s8 =	sand.u32 $0x70, s8;
	s17 =	sadd.s32 s17, s23;
	v6 =	vld [tilespmem:s21+$0x0]  }
0xf4: {  	s8 =	sadd.s32 s8, s17  }
0xf5: {  	v7 =	vld [tilespmem:s8+$0x0];
	_ =	sdelay $0x2  }
0xf6: {  	v5 =	vmul.f32 v6, v5;
	_ =	sdelay $0x1  }
0xf7: {  	v5 =	vadd.f32 v5, v7;
	_ =	sdelay $0x1  }
0xf8: {  	[tilespmem:s8+$0x0] =	vst v5  }
.LBB2_7:
0xf9: {  	s7 =	sadd.s32 $0x1, s7  }
0xfa: {  	p0 =	sne.s32 s7, $0x18  }
.Ltmp5:
0xfb: {  	_ = 	snop;
	(pc) =	sbr.rel @!p0 .LBB2_8-.Ltmp5, $1  }
0xfc: {  	_ =	sdelay $0x3  }
.LBB2_3:
0xfd: {  	_ =	sdelay $0x3  }
0xfe: {  	v5 =	vld.idx.msk [tilespmem:v4+s7+$0x0 ss:$0x1], $0xffff;
	_ =	sdelay $0x4  }
0xff: {  	(v2sf) =	vpush v5, $0x0;
	_ =	sdelay $0xe  }
0x100: {  	s8 =	spop (v2sf)  }
0x101: {  	p0 =	sne.s32 s8, $0x5  }
.Ltmp6:
0x102: {  	_ = 	snop;
	(pc) =	sbr.rel @p0 .LBB2_7-.Ltmp6, $2  }
0x103: {  	_ =	sdelay $0x2  }
0x104: {  	s8 =	sadd.s32 s22, s7  }
0x105: {  	v5 =	vld [tilespmem:s8+$0x280];
	_ =	sdelay $0x4  }
0x106: {  	v6 =	vand.u32 $0x7FFFFFFF, v5  }
0x107: {  	v6 =	vadd.f32 $1.000000000e+00, v6;
	_ =	sdelay $0x1  }
0x108: {  	v7 =	vand.u32 $0x7FFFFF, v6  }
0x109: {  	v7 =	vor.u32 $0x3F800000, v7  }
0x10a: {  	v8 =	vadd.f32 $1.000000000e+00, v7;
	_ =	sdelay $0x1  }
0x10b: {  	(erf) = vrcp.f32 v8;
	_ =	sdelay $0x6  }
0x10c: {  	vm1 =	vlt.f32 v5, $0.0e+00  }
0x10d: {  	vm2 =	vgt.f32 v5, $0.0e+00;
	v7 =	vadd.f32 $-1.000000000e+00, v7;
	v8 =	vand.u32 $0x80000000, v5  }
0x10e: {  	vm1 =	vmor vm2, vm1;
	v8 =	vor.u32 v8, v3;
	v9 =	vpop (erf)  }
0x10f: {  	v5 =	vsel vm1, v8, v5;
	v7 =	vmul.f32 v9, v7  }
0x110: {  	(v2sf) =	vpush v5, $0x0  }
0x111: {  	(v2sf) =	vpush v6, $0x0;
	v5 =	vmul.f32 v7, v7  }
0x112: {  	(v2sf) =	vpush v7, $0x0  }
0x113: {  	(v2sf) =	vpush v5, $0x0;
	_ =	sdelay $0xb  }
0x114: {  	s8 =	spop (v2sf)  }
0x115: {  	s16 =	spop (v2sf)  }
0x116: {  	s17 =	spop (v2sf)  }
0x117: {  	s18 =	spop (v2sf)  }
0x118: {  	s19 =	smul.f32 $0.0e+00, s18;
	_ =	sdelay $0x1  }
0x119: {  	s19 =	sadd.f32 $1.111111120e-01, s19;
	_ =	sdelay $0x1  }
0x11a: {  	s19 =	smul.f32 s19, s18;
	_ =	sdelay $0x1  }
0x11b: {  	s19 =	sadd.f32 $1.428571490e-01, s19;
	_ =	sdelay $0x1  }
0x11c: {  	s19 =	smul.f32 s19, s18;
	_ =	sdelay $0x1  }
0x11d: {  	s19 =	sadd.f32 $2.000000030e-01, s19;
	_ =	sdelay $0x1  }
0x11e: {  	s19 =	smul.f32 s19, s18;
	_ =	sdelay $0x1  }
0x11f: {  	s19 =	sadd.f32 $3.333333430e-01, s19  }
0x120: {  	s16 =	sshrl.u32 s16, $0x17  }
0x121: {  	s16 =	sadd.s32 $0xFFFFFF81, s16;
	s18 =	smul.f32 s19, s18  }
0x122: {  	s23 =	sshll.u32 s7, $0xB;
	s16 =	scvt.s32.f32 s16;
	s17 =	sadd.f32 s17, s17  }
0x123: {  	s20 =	sshll.u32 s7, $0x7;
	s21 =	simm.s32 $0x0;
	s18 =	sadd.f32 $1.000000000e+00, s18  }
0x124: {  	s20 =	sand.u32 $0x380, s20;
	s16 =	smul.f32 $6.931471820e-01, s16;
	s19 =	sand.u32 $0xC000, s23  }
0x125: {  	s19 =	sor.u32 s20, s19;
	s20 =	sand.u32 $0xF000, s21;
	s17 =	smul.f32 s18, s17  }
0x126: {  	s23 =	sadd.s32 $0xD00, s19;
	s19 =	simm.s32 $0x500;
	s20 =	sshrl.u32 s20, $0x2  }
0x127: {  	s21 =	sand.u32 $0x70, s21;
	v6 =	vld [tilespmem:s19+$0x0];
	s18 =	sadd.s32 s20, s23;
	s17 =	sadd.f32 s17, s16  }
0x128: {  	s16 =	sadd.s32 s21, s18  }
0x129: {  	v7 =	vld [tilespmem:s16+$0x0];
	s8 =	smul.f32 s17, s8;
	_ =	sdelay $0x1  }
0x12a: {  	v5 =	vmov s8  }
0x12b: {  	v6 =	vmul.f32 v6, v5;
	_ =	sdelay $0x1  }
0x12c: {  	s20 =	simm.s32 $0x200;
	v6 =	vadd.f32 v6, v7  }
0x12d: {  	s18 =	sand.u32 $0xF000, s20;
	s17 =	simm.s32 $0x20;
	s8 =	simm.s32 $0x10  }
.LBB2_5:
0x12e: {  	p0 =	sne.s32 s17, $0x7F0;
	s18 =	sshrl.u32 s18, $0x2;
	[tilespmem:s16+$0x0] =	vst v6;
	s19 =	sadd.s32 $0x10, s19  }
0x12f: {  	s16 =	sand.u32 $0x70, s8;
	s8 =	smov.u32 s17;
	s18 =	sadd.s32 s18, s23;
	v6 =	vld [tilespmem:s19+$0x0]  }
0x130: {  	s16 =	sadd.s32 s16, s18  }
0x131: {  	v7 =	vld [tilespmem:s16+$0x0];
	_ =	sdelay $0x1  }
.Ltmp7:
0x132: {  	(pc) =	sbr.rel @p0 .LBB2_5-.Ltmp7, $3  }
0x133: {  	v6 =	vmul.f32 v6, v5;
	_ =	sdelay $0x1  }
0x134: {  	s20 =	sadd.s32 $0x200, s20;
	v6 =	vadd.f32 v6, v7  }
0x135: {  	s17 =	sadd.s32 $0x10, s17;
	s18 =	sand.u32 $0xF000, s20  }
.Ltmp8:
0x136: {  	_ = 	snop;
	(pc) =	sbr.rel .LBB2_6-.Ltmp8, $1  }
0x137: {  	_ =	sdelay $0x3  }
.LBB2_8:
0x138: {  	s7 =	sadd.s32 s4, s22  }
0x139: {  	s7 =	sshll.u32 s7, $0x8  }
0x13a: {  	s23 =	simm.s32 $0x0;
	s7 =	sadd.s32 s5, s7  }
0x13b: {  	[hbm4b:s7+s23] =	stream.linear.scatter [tilespmem:s24], [sflag:$0x3], $0xC000, $0x38;
	[tilespmem:$0x18D00] =	vst v63  }
0x13c: {  	_ =	swait.ge [sflag:s2], $0xC000  }
0x13d: {  	[sflag:s2] =	ssyncset.done $0x0  }
0x13e: {  	[sflag:s2] =	ssyncadd.s32 $0xFFFF4000  }
0x13f: {  	v4 =	vld [tilespmem:s22+$0x30];
	_ =	sdelay $0x4  }
0x140: {  	v5 =	vshll.u32 v4, $0x4  }
0x141: {  	v4 =	vand.u32 $0x7, v4;
	v5 =	vand.u32 $0xFFFFFF80, v5  }
0x142: {  	v4 =	vor.u32 v4, v5  }
0x143: {  	v5 =	vperm.xlane v4, v0;
	_ =	sdelay $0x1  }
0x144: {  	v5 =	vadd.s32 v1, v5;
	_ =	sdelay $0x4  }
0x145: {  	[tilespmem:s24], [sflag:$0x1] =	stream.indirect_vreg.gather [hbm4b:s1+s23], $0x80, v5, vm0, $0xb8;
	[tilespmem:$0x18D00] =	vst v63  }
0x146: {  	s17 =	simm.s32 $0x1500  }
0x147: {  	[tilespmem:s17], [sflag:$0x1] =	stream.indirect_vreg.gather [hbm4b:s9+s23], $0x80, v5, vm0, $0xb8;
	[tilespmem:$0x18D00] =	vst v63  }
0x148: {  	s18 =	simm.s32 $0x1D00  }
0x149: {  	[tilespmem:s18], [sflag:$0x1] =	stream.indirect_vreg.gather [hbm4b:s10+s23], $0x80, v5, vm0, $0xb8;
	[tilespmem:$0x18D00] =	vst v63  }
0x14a: {  	s19 =	simm.s32 $0x2500  }
0x14b: {  	[tilespmem:s19], [sflag:$0x1] =	stream.indirect_vreg.gather [hbm4b:s11+s23], $0x80, v5, vm0, $0xb8;
	[tilespmem:$0x18D00] =	vst v63  }
0x14c: {  	s20 =	simm.s32 $0x2D00  }
0x14d: {  	[tilespmem:s20], [sflag:$0x1] =	stream.indirect_vreg.gather [hbm4b:s12+s23], $0x80, v5, vm0, $0xb8;
	[tilespmem:$0x18D00] =	vst v63  }
0x14e: {  	s21 =	simm.s32 $0x3500;
	v4 =	vperm.xlane v4, v2  }
0x14f: {  	[tilespmem:s21], [sflag:$0x1] =	stream.indirect_vreg.gather [hbm4b:s13+s23], $0x80, v5, vm0, $0xb8;
	[tilespmem:$0x18D00] =	vst v63  }
0x150: {  	s8 =	simm.s32 $0x3D00;
	v4 =	vadd.s32 v1, v4  }
0x151: {  	[tilespmem:s8], [sflag:$0x1] =	stream.indirect_vreg.gather [hbm4b:s14+s23], $0x80, v5, vm0, $0xb8;
	[tilespmem:$0x18D00] =	vst v63  }
0x152: {  	s16 =	simm.s32 $0x4500  }
0x153: {  	[tilespmem:s16], [sflag:$0x1] =	stream.indirect_vreg.gather [hbm4b:s15+s23], $0x80, v5, vm0, $0xb8;
	[tilespmem:$0x18D00] =	vst v63  }
0x154: {  	s17 =	simm.s32 $0x4D00  }
0x155: {  	[tilespmem:s17], [sflag:$0x1] =	stream.indirect_vreg.gather [hbm4b:s1+s23], $0x80, v4, vm0, $0xb8;
	[tilespmem:$0x18D00] =	vst v63  }
0x156: {  	s18 =	simm.s32 $0x5500  }
0x157: {  	[tilespmem:s18], [sflag:$0x1] =	stream.indirect_vreg.gather [hbm4b:s9+s23], $0x80, v4, vm0, $0xb8;
	[tilespmem:$0x18D00] =	vst v63  }
0x158: {  	s19 =	simm.s32 $0x5D00  }
0x159: {  	[tilespmem:s19], [sflag:$0x1] =	stream.indirect_vreg.gather [hbm4b:s10+s23], $0x80, v4, vm0, $0xb8;
	[tilespmem:$0x18D00] =	vst v63  }
0x15a: {  	s20 =	simm.s32 $0x6500  }
0x15b: {  	[tilespmem:s20], [sflag:$0x1] =	stream.indirect_vreg.gather [hbm4b:s11+s23], $0x80, v4, vm0, $0xb8;
	[tilespmem:$0x18D00] =	vst v63  }
0x15c: {  	s21 =	simm.s32 $0x6D00  }
0x15d: {  	[tilespmem:s21], [sflag:$0x1] =	stream.indirect_vreg.gather [hbm4b:s12+s23], $0x80, v4, vm0, $0xb8;
	[tilespmem:$0x18D00] =	vst v63  }
0x15e: {  	s8 =	simm.s32 $0x7500  }
0x15f: {  	[tilespmem:s8], [sflag:$0x1] =	stream.indirect_vreg.gather [hbm4b:s13+s23], $0x80, v4, vm0, $0xb8;
	[tilespmem:$0x18D00] =	vst v63  }
0x160: {  	s16 =	simm.s32 $0x7D00  }
0x161: {  	[tilespmem:s16], [sflag:$0x1] =	stream.indirect_vreg.gather [hbm4b:s14+s23], $0x80, v4, vm0, $0xb8;
	[tilespmem:$0x18D00] =	vst v63  }
0x162: {  	s17 =	simm.s32 $0x8500  }
0x163: {  	[tilespmem:s17], [sflag:$0x1] =	stream.indirect_vreg.gather [hbm4b:s15+s23], $0x80, v4, vm0, $0xb8;
	[tilespmem:$0x18D00] =	vst v63  }
0x164: {  	v4 =	vld.msk [tilespmem:s22+$0x40], $0xff;
	_ =	sdelay $0x4  }
0x165: {  	v5 =	vshll.u32 v4, $0x4  }
0x166: {  	v4 =	vand.u32 $0x7, v4;
	v5 =	vand.u32 $0xFFFFFF80, v5  }
0x167: {  	v4 =	vor.u32 v4, v5  }
0x168: {  	v4 =	vperm.xlane v4, v0;
	_ =	sdelay $0x1  }
0x169: {  	v4 =	vadd.s32 v1, v4;
	_ =	sdelay $0x3  }
0x16a: {  	s18 =	simm.s32 $0x8D00  }
0x16b: {  	[tilespmem:s18], [sflag:$0x1] =	stream.indirect_vreg.gather [hbm4b:s1+s23], $0x80, v4, vm0, $0xb8;
	[tilespmem:$0x18D00] =	vst v63  }
0x16c: {  	s19 =	simm.s32 $0x9500  }
0x16d: {  	[tilespmem:s19], [sflag:$0x1] =	stream.indirect_vreg.gather [hbm4b:s9+s23], $0x80, v4, vm0, $0xb8;
	[tilespmem:$0x18D00] =	vst v63  }
0x16e: {  	s20 =	simm.s32 $0x9D00  }
0x16f: {  	[tilespmem:s20], [sflag:$0x1] =	stream.indirect_vreg.gather [hbm4b:s10+s23], $0x80, v4, vm0, $0xb8;
	[tilespmem:$0x18D00] =	vst v63  }
0x170: {  	s21 =	simm.s32 $0xA500  }
0x171: {  	[tilespmem:s21], [sflag:$0x1] =	stream.indirect_vreg.gather [hbm4b:s11+s23], $0x80, v4, vm0, $0xb8;
	[tilespmem:$0x18D00] =	vst v63  }
0x172: {  	_ = 	snop  }
0x173: {  	[tilespmem:s25], [sflag:$0x1] =	stream.indirect_vreg.gather [hbm4b:s12+s23], $0x80, v4, vm0, $0xb8;
	[tilespmem:$0x18D00] =	vst v63  }
0x174: {  	_ = 	snop  }
0x175: {  	[tilespmem:s26], [sflag:$0x1] =	stream.indirect_vreg.gather [hbm4b:s13+s23], $0x80, v4, vm0, $0xb8;
	[tilespmem:$0x18D00] =	vst v63  }
0x176: {  	_ = 	snop  }
0x177: {  	[tilespmem:s28], [sflag:$0x1] =	stream.indirect_vreg.gather [hbm4b:s14+s23], $0x80, v4, vm0, $0xb8;
	[tilespmem:$0x18D00] =	vst v63  }
.Ltmp9:
0x178: {  	_ = 	snop;
	(pc) =	sbr.rel .LBB2_9-.Ltmp9, $4  }
0x179: {  	[tilespmem:s29], [sflag:$0x1] =	stream.indirect_vreg.gather [hbm4b:s15+s23], $0x80, v4, vm0, $0xb8;
	[tilespmem:$0x18D00] =	vst v63  }
0x17a: {  	_ =	swait.ge [sflag:s0], $0xC000  }
0x17b: {  	s7 =	sadd.s32 $0x18, s22;
	[sflag:s0] =	ssyncset.done $0x0  }
0x17c: {  	v4 =	vmov s7;
	[sflag:s0] =	ssyncadd.s32 $0xFFFF4000  }
.LBB2_12:
0x17d: {  	s16 =	sshrl.u32 s21, $0x2;
	[tilespmem:s17+$0x0] =	vst v6;
	s8 =	sadd.s32 $0x10, s8  }
0x17e: {  	s20 =	sand.u32 $0x70, s20;
	s16 =	sadd.s32 s16, s19;
	v6 =	vld [tilespmem:s8+$0x0]  }
0x17f: {  	s21 =	sadd.s32 s20, s16  }
0x180: {  	v7 =	vld [tilespmem:s21+$0x0];
	_ =	sdelay $0x2  }
0x181: {  	v5 =	vmul.f32 v6, v5;
	_ =	sdelay $0x1  }
0x182: {  	v5 =	vadd.f32 v5, v7;
	_ =	sdelay $0x1  }
0x183: {  	[tilespmem:s21+$0x0] =	vst v5  }
.LBB2_13:
0x184: {  	s23 =	sadd.s32 $0x1, s23  }
0x185: {  	p0 =	sne.s32 s23, $0x18  }
.Ltmp10:
0x186: {  	_ = 	snop;
	(pc) =	sbr.rel @!p0 .LBB2_14-.Ltmp10, $1  }
0x187: {  	_ =	sdelay $0x3  }
.LBB2_9:
0x188: {  	_ =	sdelay $0x3  }
0x189: {  	v5 =	vld.idx.msk [tilespmem:v4+s23+$0x0 ss:$0x1], $0xffff;
	_ =	sdelay $0x4  }
0x18a: {  	(v2sf) =	vpush v5, $0x0;
	_ =	sdelay $0xe  }
0x18b: {  	s8 =	spop (v2sf)  }
0x18c: {  	p0 =	sne.s32 s8, $0x5  }
.Ltmp11:
0x18d: {  	_ = 	snop;
	(pc) =	sbr.rel @p0 .LBB2_13-.Ltmp11, $2  }
0x18e: {  	_ =	sdelay $0x2  }
0x18f: {  	s8 =	sadd.s32 s7, s23  }
0x190: {  	v5 =	vld [tilespmem:s8+$0x280];
	_ =	sdelay $0x4  }
0x191: {  	v6 =	vand.u32 $0x7FFFFFFF, v5  }
0x192: {  	v6 =	vadd.f32 $1.000000000e+00, v6;
	_ =	sdelay $0x1  }
0x193: {  	v7 =	vand.u32 $0x7FFFFF, v6  }
0x194: {  	v7 =	vor.u32 $0x3F800000, v7  }
0x195: {  	v8 =	vadd.f32 $1.000000000e+00, v7;
	_ =	sdelay $0x1  }
0x196: {  	(erf) = vrcp.f32 v8;
	_ =	sdelay $0x6  }
0x197: {  	vm1 =	vlt.f32 v5, $0.0e+00  }
0x198: {  	vm2 =	vgt.f32 v5, $0.0e+00;
	v7 =	vadd.f32 $-1.000000000e+00, v7;
	v8 =	vand.u32 $0x80000000, v5  }
0x199: {  	vm1 =	vmor vm2, vm1;
	v8 =	vor.u32 v8, v3;
	v9 =	vpop (erf)  }
0x19a: {  	v5 =	vsel vm1, v8, v5;
	v7 =	vmul.f32 v9, v7  }
0x19b: {  	(v2sf) =	vpush v5, $0x0  }
0x19c: {  	(v2sf) =	vpush v6, $0x0;
	v5 =	vmul.f32 v7, v7  }
0x19d: {  	(v2sf) =	vpush v7, $0x0  }
0x19e: {  	(v2sf) =	vpush v5, $0x0;
	_ =	sdelay $0xb  }
0x19f: {  	s16 =	spop (v2sf)  }
0x1a0: {  	s21 =	spop (v2sf)  }
0x1a1: {  	s17 =	spop (v2sf)  }
0x1a2: {  	s18 =	spop (v2sf)  }
0x1a3: {  	s19 =	smul.f32 $0.0e+00, s18;
	_ =	sdelay $0x1  }
0x1a4: {  	s19 =	sadd.f32 $1.111111120e-01, s19;
	_ =	sdelay $0x1  }
0x1a5: {  	s19 =	smul.f32 s19, s18;
	_ =	sdelay $0x1  }
0x1a6: {  	s19 =	sadd.f32 $1.428571490e-01, s19;
	_ =	sdelay $0x1  }
0x1a7: {  	s19 =	smul.f32 s19, s18;
	_ =	sdelay $0x1  }
0x1a8: {  	s19 =	sadd.f32 $2.000000030e-01, s19;
	_ =	sdelay $0x1  }
0x1a9: {  	s19 =	smul.f32 s19, s18  }
0x1aa: {  	s8 =	sshrl.u32 s21, $0x17  }
0x1ab: {  	s8 =	sadd.s32 $0xFFFFFF81, s8;
	s19 =	sadd.f32 $3.333333430e-01, s19  }
0x1ac: {  	s8 =	scvt.s32.f32 s8  }
0x1ad: {  	s18 =	smul.f32 s19, s18  }
0x1ae: {  	s20 =	smul.f32 $6.931471820e-01, s8;
	s8 =	sadd.f32 s17, s17  }
0x1af: {  	s21 =	sshll.u32 s23, $0x7;
	s19 =	sshll.u32 s23, $0xB;
	s17 =	sadd.f32 $1.000000000e+00, s18  }
0x1b0: {  	s18 =	sand.u32 $0xC000, s19;
	s19 =	sand.u32 $0x380, s21;
	s21 =	simm.s32 $0x0  }
0x1b1: {  	s19 =	sor.u32 s19, s18;
	s18 =	sand.u32 $0xF000, s21;
	s17 =	smul.f32 s17, s8  }
0x1b2: {  	s19 =	sadd.s32 $0xCD00, s19;
	s8 =	simm.s32 $0x500;
	s18 =	sshrl.u32 s18, $0x2  }
0x1b3: {  	s21 =	sand.u32 $0x70, s21;
	s18 =	sadd.s32 s18, s19;
	v6 =	vld [tilespmem:s8+$0x0];
	s20 =	sadd.f32 s17, s20  }
0x1b4: {  	s17 =	sadd.s32 s21, s18  }
0x1b5: {  	v7 =	vld [tilespmem:s17+$0x0];
	s16 =	smul.f32 s20, s16;
	_ =	sdelay $0x1  }
0x1b6: {  	v5 =	vmov s16  }
0x1b7: {  	v6 =	vmul.f32 v6, v5;
	_ =	sdelay $0x1  }
0x1b8: {  	s16 =	simm.s32 $0x200;
	v6 =	vadd.f32 v6, v7  }
0x1b9: {  	s18 =	simm.s32 $0x20;
	s20 =	simm.s32 $0x10;
	s21 =	sand.u32 $0xF000, s16  }
.LBB2_11:
0x1ba: {  	p0 =	sne.s32 s18, $0x7F0;
	s21 =	sshrl.u32 s21, $0x2;
	[tilespmem:s17+$0x0] =	vst v6;
	s8 =	sadd.s32 $0x10, s8  }
0x1bb: {  	s17 =	sand.u32 $0x70, s20;
	s20 =	smov.u32 s18;
	s21 =	sadd.s32 s21, s19;
	v6 =	vld [tilespmem:s8+$0x0]  }
0x1bc: {  	s17 =	sadd.s32 s17, s21  }
0x1bd: {  	v7 =	vld [tilespmem:s17+$0x0];
	_ =	sdelay $0x1  }
.Ltmp12:
0x1be: {  	(pc) =	sbr.rel @p0 .LBB2_11-.Ltmp12, $3  }
0x1bf: {  	v6 =	vmul.f32 v6, v5;
	_ =	sdelay $0x1  }
0x1c0: {  	s16 =	sadd.s32 $0x200, s16;
	v6 =	vadd.f32 v6, v7  }
0x1c1: {  	s18 =	sadd.s32 $0x10, s18;
	s21 =	sand.u32 $0xF000, s16  }
.Ltmp13:
0x1c2: {  	_ = 	snop;
	(pc) =	sbr.rel .LBB2_12-.Ltmp13, $1  }
0x1c3: {  	_ =	sdelay $0x3  }
.LBB2_15:
.Ltmp14:
0x1c4: {  	(pc) =	sbr.rel .LBB2_16-.Ltmp14, $4  }
0x1c5: {  	_ = 	snop  }
0x1c6: {  	_ =	swait.ge [sflag:s31], $0xC000  }
0x1c7: {  	[sflag:s31] =	ssyncset.done $0x0  }
0x1c8: {  	s3 =	simm.s32 $0x0;
	s22 =	simm.s32 $0xD500;
	[sflag:s31] =	ssyncadd.s32 $0xFFFF4000  }
.LBB2_20:
0x1c9: {  	s3 =	sadd.s32 $0x1, s3  }
0x1ca: {  	p0 =	sne.s32 s3, $0x18  }
.Ltmp15:
0x1cb: {  	_ = 	snop;
	(pc) =	sbr.rel @!p0 .LBB2_21-.Ltmp15, $1  }
0x1cc: {  	_ =	sdelay $0x3  }
.LBB2_16:
0x1cd: {  	s7 =	sor.u32 $0x1E0, s3  }
0x1ce: {  	v4 =	vld [tilespmem:s7+$0x0];
	_ =	sdelay $0x4  }
0x1cf: {  	(v2sf) =	vpush v4, $0x0;
	_ =	sdelay $0xe  }
0x1d0: {  	s8 =	spop (v2sf)  }
0x1d1: {  	p0 =	sne.s32 s8, $0x5  }
.Ltmp16:
0x1d2: {  	_ = 	snop;
	(pc) =	sbr.rel @p0 .LBB2_20-.Ltmp16, $1  }
0x1d3: {  	_ =	sdelay $0x3  }
0x1d4: {  	v4 =	vld [tilespmem:s7+$0x280];
	_ =	sdelay $0x4  }
0x1d5: {  	v5 =	vand.u32 $0x7FFFFFFF, v4  }
0x1d6: {  	v5 =	vadd.f32 $1.000000000e+00, v5;
	_ =	sdelay $0x1  }
0x1d7: {  	v6 =	vand.u32 $0x7FFFFF, v5  }
0x1d8: {  	v6 =	vor.u32 $0x3F800000, v6  }
0x1d9: {  	v7 =	vadd.f32 $1.000000000e+00, v6;
	_ =	sdelay $0x1  }
0x1da: {  	(erf) = vrcp.f32 v7;
	_ =	sdelay $0x6  }
0x1db: {  	vm1 =	vlt.f32 v4, $0.0e+00  }
0x1dc: {  	vm2 =	vgt.f32 v4, $0.0e+00;
	v6 =	vadd.f32 $-1.000000000e+00, v6;
	v7 =	vand.u32 $0x80000000, v4  }
0x1dd: {  	vm1 =	vmor vm2, vm1;
	v7 =	vor.u32 v7, v3;
	v8 =	vpop (erf)  }
0x1de: {  	v4 =	vsel vm1, v7, v4;
	v6 =	vmul.f32 v8, v6  }
0x1df: {  	(v2sf) =	vpush v4, $0x0  }
0x1e0: {  	(v2sf) =	vpush v5, $0x0;
	v4 =	vmul.f32 v6, v6  }
0x1e1: {  	(v2sf) =	vpush v6, $0x0  }
0x1e2: {  	(v2sf) =	vpush v4, $0x0;
	_ =	sdelay $0xb  }
0x1e3: {  	s16 =	spop (v2sf)  }
0x1e4: {  	s23 =	spop (v2sf)  }
0x1e5: {  	s8 =	spop (v2sf)  }
0x1e6: {  	s17 =	spop (v2sf)  }
0x1e7: {  	s18 =	smul.f32 $0.0e+00, s17;
	_ =	sdelay $0x1  }
0x1e8: {  	s18 =	sadd.f32 $1.111111120e-01, s18;
	_ =	sdelay $0x1  }
0x1e9: {  	s18 =	smul.f32 s18, s17;
	_ =	sdelay $0x1  }
0x1ea: {  	s18 =	sadd.f32 $1.428571490e-01, s18;
	_ =	sdelay $0x1  }
0x1eb: {  	s18 =	smul.f32 s18, s17;
	_ =	sdelay $0x1  }
0x1ec: {  	s18 =	sadd.f32 $2.000000030e-01, s18;
	_ =	sdelay $0x1  }
0x1ed: {  	s18 =	smul.f32 s18, s17;
	_ =	sdelay $0x1  }
0x1ee: {  	s18 =	sadd.f32 $3.333333430e-01, s18  }
0x1ef: {  	s7 =	sshrl.u32 s23, $0x17  }
0x1f0: {  	s7 =	sadd.s32 $0xFFFFFF81, s7;
	s17 =	smul.f32 s18, s17  }
0x1f1: {  	s19 =	sshll.u32 s3, $0x7;
	s7 =	scvt.s32.f32 s7;
	s8 =	sadd.f32 s8, s8  }
0x1f2: {  	s20 =	simm.s32 $0x0;
	s23 =	sshll.u32 s3, $0xB;
	s21 =	sadd.f32 $1.000000000e+00, s17  }
0x1f3: {  	s19 =	sand.u32 $0x380, s19;
	s18 =	smul.f32 $6.931471820e-01, s7;
	s17 =	sand.u32 $0xC000, s23  }
0x1f4: {  	s17 =	sor.u32 s19, s17;
	s19 =	sand.u32 $0xF000, s20;
	s21 =	smul.f32 s21, s8  }
0x1f5: {  	s7 =	sadd.s32 $0xD00, s17;
	s8 =	simm.s32 $0x500;
	s17 =	sshrl.u32 s19, $0x2  }
0x1f6: {  	s23 =	sand.u32 $0x70, s20;
	s17 =	sadd.s32 s17, s7;
	v5 =	vld [tilespmem:s8+$0x0];
	s18 =	sadd.f32 s21, s18  }
0x1f7: {  	s17 =	sadd.s32 s23, s17  }
0x1f8: {  	v6 =	vld [tilespmem:s17+$0x0];
	s16 =	smul.f32 s18, s16;
	_ =	sdelay $0x1  }
0x1f9: {  	v4 =	vmov s16  }
0x1fa: {  	v5 =	vmul.f32 v5, v4;
	_ =	sdelay $0x1  }
0x1fb: {  	s16 =	simm.s32 $0x200;
	v5 =	vadd.f32 v5, v6  }
0x1fc: {  	s19 =	simm.s32 $0x10;
	s18 =	simm.s32 $0x20;
	s20 =	sand.u32 $0xF000, s16  }
.LBB2_18:
0x1fd: {  	p0 =	sne.s32 s18, $0x7F0;
	s20 =	sshrl.u32 s20, $0x2;
	[tilespmem:s17+$0x0] =	vst v5;
	s8 =	sadd.s32 $0x10, s8  }
0x1fe: {  	s17 =	sand.u32 $0x70, s19;
	s19 =	smov.u32 s18;
	s20 =	sadd.s32 s20, s7;
	v5 =	vld [tilespmem:s8+$0x0]  }
0x1ff: {  	s17 =	sadd.s32 s17, s20  }
0x200: {  	v6 =	vld [tilespmem:s17+$0x0];
	_ =	sdelay $0x1  }
.Ltmp17:
0x201: {  	(pc) =	sbr.rel @p0 .LBB2_18-.Ltmp17, $3  }
0x202: {  	v5 =	vmul.f32 v5, v4;
	_ =	sdelay $0x1  }
0x203: {  	s16 =	sadd.s32 $0x200, s16;
	v5 =	vadd.f32 v5, v6  }
0x204: {  	s18 =	sadd.s32 $0x10, s18;
	s20 =	sand.u32 $0xF000, s16  }
0x205: {  	s16 =	sshrl.u32 s20, $0x2;
	[tilespmem:s17+$0x0] =	vst v5;
	s8 =	sadd.s32 $0x10, s8  }
0x206: {  	s23 =	sand.u32 $0x70, s19;
	s7 =	sadd.s32 s16, s7;
	v5 =	vld [tilespmem:s8+$0x0]  }
0x207: {  	s7 =	sadd.s32 s23, s7  }
0x208: {  	v6 =	vld [tilespmem:s7+$0x0];
	_ =	sdelay $0x2  }
.Ltmp18:
0x209: {  	v4 =	vmul.f32 v5, v4;
	(pc) =	sbr.rel .LBB2_20-.Ltmp18, $3  }
0x20a: {  	_ = 	snop  }
0x20b: {  	v4 =	vadd.f32 v4, v6;
	_ =	sdelay $0x1  }
0x20c: {  	[tilespmem:s7+$0x0] =	vst v4  }
.LBB2_21:
0x20d: {  	s3 =	simm.s32 $0x0;
	s7 =	rddreg [dreg:$0x8];
	s16 =	simm.s32 $0x4  }
0x20e: {  	[hbm4b:s7+s3] =	stream.linear.scatter [tilespmem:s24], [sflag:$0x3], $0xC000, $0x38;
	[tilespmem:$0x18D00] =	vst v63  }
0x20f: {  	_ =	swait.ge [sflag:s16], $0xC000  }
0x210: {  	[sflag:s16] =	ssyncset.done $0x0  }
0x211: {  	[sflag:s16] =	ssyncadd.s32 $0xFFFF4000  }
0x212: {  	v4 =	vld.msk [tilespmem:$0x1F8], $0xff;
	_ =	sdelay $0x4  }
0x213: {  	v5 =	vshll.u32 v4, $0x4  }
0x214: {  	v4 =	vand.u32 $0x7, v4;
	v5 =	vand.u32 $0xFFFFFF80, v5  }
0x215: {  	v4 =	vor.u32 v4, v5  }
0x216: {  	v4 =	vperm.xlane v4, v0;
	_ =	sdelay $0x1  }
0x217: {  	v4 =	vadd.s32 v1, v4;
	_ =	sdelay $0x4  }
0x218: {  	[tilespmem:s30], [sflag:$0x2] =	stream.indirect_vreg.gather [hbm4b:s1+s3], $0x80, v4, vm0, $0xb8;
	[tilespmem:$0x18D00] =	vst v63  }
0x219: {  	_ = 	snop  }
0x21a: {  	[tilespmem:s22], [sflag:$0x2] =	stream.indirect_vreg.gather [hbm4b:s9+s3], $0x80, v4, vm0, $0xb8;
	[tilespmem:$0x18D00] =	vst v63  }
0x21b: {  	s17 =	simm.s32 $0xDD00  }
0x21c: {  	[tilespmem:s17], [sflag:$0x2] =	stream.indirect_vreg.gather [hbm4b:s10+s3], $0x80, v4, vm0, $0xb8;
	[tilespmem:$0x18D00] =	vst v63  }
0x21d: {  	s18 =	simm.s32 $0xE500  }
0x21e: {  	[tilespmem:s18], [sflag:$0x2] =	stream.indirect_vreg.gather [hbm4b:s11+s3], $0x80, v4, vm0, $0xb8;
	[tilespmem:$0x18D00] =	vst v63  }
0x21f: {  	s19 =	simm.s32 $0xED00  }
0x220: {  	[tilespmem:s19], [sflag:$0x2] =	stream.indirect_vreg.gather [hbm4b:s12+s3], $0x80, v4, vm0, $0xb8;
	[tilespmem:$0x18D00] =	vst v63  }
0x221: {  	s20 =	simm.s32 $0xF500  }
0x222: {  	[tilespmem:s20], [sflag:$0x2] =	stream.indirect_vreg.gather [hbm4b:s13+s3], $0x80, v4, vm0, $0xb8;
	[tilespmem:$0x18D00] =	vst v63  }
0x223: {  	s21 =	simm.s32 $0xFD00  }
0x224: {  	[tilespmem:s21], [sflag:$0x2] =	stream.indirect_vreg.gather [hbm4b:s14+s3], $0x80, v4, vm0, $0xb8;
	[tilespmem:$0x18D00] =	vst v63  }
.Ltmp19:
0x225: {  	s23 =	simm.s32 $0x10500;
	(pc) =	sbr.rel .LBB2_22-.Ltmp19, $4  }
0x226: {  	[tilespmem:s23], [sflag:$0x2] =	stream.indirect_vreg.gather [hbm4b:s15+s3], $0x80, v4, vm0, $0xb8;
	[tilespmem:$0x18D00] =	vst v63  }
0x227: {  	_ =	swait.ge [sflag:s0], $0x4000  }
0x228: {  	[sflag:s0] =	ssyncset.done $0x0  }
0x229: {  	[sflag:s0] =	ssyncadd.s32 $0xFFFFC000  }
.LBB2_26:
0x22a: {  	s3 =	sadd.s32 $0x1, s3  }
0x22b: {  	p0 =	sne.s32 s3, $0x8  }
.Ltmp20:
0x22c: {  	_ = 	snop;
	(pc) =	sbr.rel @!p0 .LBB2_27-.Ltmp20, $1  }
0x22d: {  	_ =	sdelay $0x3  }
.LBB2_22:
0x22e: {  	s7 =	sor.u32 $0x1F8, s3  }
0x22f: {  	v4 =	vld [tilespmem:s7+$0x0];
	_ =	sdelay $0x4  }
0x230: {  	(v2sf) =	vpush v4, $0x0;
	_ =	sdelay $0xe  }
0x231: {  	s8 =	spop (v2sf)  }
0x232: {  	p0 =	sne.s32 s8, $0x5  }
.Ltmp21:
0x233: {  	_ = 	snop;
	(pc) =	sbr.rel @p0 .LBB2_26-.Ltmp21, $1  }
0x234: {  	_ =	sdelay $0x3  }
0x235: {  	v4 =	vld [tilespmem:s7+$0x280];
	_ =	sdelay $0x4  }
0x236: {  	v5 =	vand.u32 $0x7FFFFFFF, v4  }
0x237: {  	v5 =	vadd.f32 $1.000000000e+00, v5;
	_ =	sdelay $0x1  }
0x238: {  	v6 =	vand.u32 $0x7FFFFF, v5  }
0x239: {  	v6 =	vor.u32 $0x3F800000, v6  }
0x23a: {  	v7 =	vadd.f32 $1.000000000e+00, v6;
	_ =	sdelay $0x1  }
0x23b: {  	(erf) = vrcp.f32 v7;
	_ =	sdelay $0x6  }
0x23c: {  	vm1 =	vlt.f32 v4, $0.0e+00  }
0x23d: {  	vm2 =	vgt.f32 v4, $0.0e+00;
	v6 =	vadd.f32 $-1.000000000e+00, v6;
	v7 =	vand.u32 $0x80000000, v4  }
0x23e: {  	vm1 =	vmor vm2, vm1;
	v7 =	vor.u32 v7, v3;
	v8 =	vpop (erf)  }
0x23f: {  	v4 =	vsel vm1, v7, v4;
	v6 =	vmul.f32 v8, v6  }
0x240: {  	(v2sf) =	vpush v4, $0x0  }
0x241: {  	(v2sf) =	vpush v5, $0x0;
	v4 =	vmul.f32 v6, v6  }
0x242: {  	(v2sf) =	vpush v6, $0x0  }
0x243: {  	(v2sf) =	vpush v4, $0x0;
	_ =	sdelay $0xb  }
0x244: {  	s16 =	spop (v2sf)  }
0x245: {  	s21 =	spop (v2sf)  }
0x246: {  	s8 =	spop (v2sf)  }
0x247: {  	s17 =	spop (v2sf)  }
0x248: {  	s18 =	smul.f32 $0.0e+00, s17;
	_ =	sdelay $0x1  }
0x249: {  	s18 =	sadd.f32 $1.111111120e-01, s18;
	_ =	sdelay $0x1  }
0x24a: {  	s18 =	smul.f32 s18, s17;
	_ =	sdelay $0x1  }
0x24b: {  	s18 =	sadd.f32 $1.428571490e-01, s18;
	_ =	sdelay $0x1  }
0x24c: {  	s18 =	smul.f32 s18, s17;
	_ =	sdelay $0x1  }
0x24d: {  	s18 =	sadd.f32 $2.000000030e-01, s18;
	_ =	sdelay $0x1  }
0x24e: {  	s18 =	smul.f32 s18, s17;
	_ =	sdelay $0x1  }
0x24f: {  	s18 =	sadd.f32 $3.333333430e-01, s18  }
0x250: {  	s7 =	sshrl.u32 s21, $0x17  }
0x251: {  	s7 =	sadd.s32 $0xFFFFFF81, s7;
	s17 =	smul.f32 s18, s17  }
0x252: {  	s7 =	scvt.s32.f32 s7;
	s8 =	sadd.f32 s8, s8  }
0x253: {  	s17 =	sadd.f32 $1.000000000e+00, s17  }
0x254: {  	s20 =	sshll.u32 s3, $0x7;
	s19 =	simm.s32 $0x0;
	s23 =	smul.f32 $6.931471820e-01, s7  }
0x255: {  	s7 =	sand.u32 $0x3FFFFF80, s20;
	s20 =	sand.u32 $0xF000, s19;
	s17 =	smul.f32 s17, s8  }
0x256: {  	s7 =	sadd.s32 $0xCD00, s7;
	s20 =	sshrl.u32 s20, $0x2;
	s8 =	simm.s32 $0x500  }
0x257: {  	s21 =	sand.u32 $0x70, s19;
	v5 =	vld [tilespmem:s8+$0x0];
	s18 =	sadd.f32 s17, s23;
	s23 =	sadd.s32 s20, s7  }
0x258: {  	s17 =	sadd.s32 s21, s23  }
0x259: {  	s16 =	smul.f32 s18, s16;
	v6 =	vld [tilespmem:s17+$0x0];
	_ =	sdelay $0x1  }
0x25a: {  	v4 =	vmov s16  }
0x25b: {  	v5 =	vmul.f32 v5, v4;
	_ =	sdelay $0x1  }
0x25c: {  	s16 =	simm.s32 $0x200;
	v5 =	vadd.f32 v5, v6  }
0x25d: {  	s19 =	simm.s32 $0x10;
	s18 =	simm.s32 $0x20;
	s20 =	sand.u32 $0xF000, s16  }
.LBB2_24:
0x25e: {  	p0 =	sne.s32 s18, $0x7F0;
	s20 =	sshrl.u32 s20, $0x2;
	[tilespmem:s17+$0x0] =	vst v5;
	s8 =	sadd.s32 $0x10, s8  }
0x25f: {  	s17 =	sand.u32 $0x70, s19;
	s19 =	smov.u32 s18;
	s20 =	sadd.s32 s20, s7;
	v5 =	vld [tilespmem:s8+$0x0]  }
0x260: {  	s17 =	sadd.s32 s17, s20  }
0x261: {  	v6 =	vld [tilespmem:s17+$0x0];
	_ =	sdelay $0x1  }
.Ltmp22:
0x262: {  	(pc) =	sbr.rel @p0 .LBB2_24-.Ltmp22, $3  }
0x263: {  	v5 =	vmul.f32 v5, v4;
	_ =	sdelay $0x1  }
0x264: {  	s16 =	sadd.s32 $0x200, s16;
	v5 =	vadd.f32 v5, v6  }
0x265: {  	s18 =	sadd.s32 $0x10, s18;
	s20 =	sand.u32 $0xF000, s16  }
0x266: {  	s16 =	sshrl.u32 s20, $0x2;
	[tilespmem:s17+$0x0] =	vst v5;
	s8 =	sadd.s32 $0x10, s8  }
0x267: {  	s23 =	sand.u32 $0x70, s19;
	s7 =	sadd.s32 s16, s7;
	v5 =	vld [tilespmem:s8+$0x0]  }
0x268: {  	s7 =	sadd.s32 s23, s7  }
0x269: {  	v6 =	vld [tilespmem:s7+$0x0];
	_ =	sdelay $0x2  }
.Ltmp23:
0x26a: {  	v4 =	vmul.f32 v5, v4;
	(pc) =	sbr.rel .LBB2_26-.Ltmp23, $3  }
0x26b: {  	_ = 	snop  }
0x26c: {  	v4 =	vadd.f32 v4, v6;
	_ =	sdelay $0x1  }
0x26d: {  	[tilespmem:s7+$0x0] =	vst v4  }
.LBB2_28:
0x26e: {  	_ =	sfence.sel $0x180000  }
0x26f: {  	[bflag:$0x0] =	sbarrier.arrive $0xFFFF  }
0x270: {  	_ =	strace $0x90000047  }
0x271: {  	s0 =	stileid.u32;
	[bflag:$0x2] =	sbarrier.arrive $0xFFFF  }
0x272: {  	p0 =	sne.s32 s0, $0x0;
	s0 =	rddreg [dreg:$0x5]  }
0x273: {  	s0 =	sadd.s32 @!p0 $0x100000, s0  }
0x274: {  	[sflag:s0] =	ssyncadd.tile.s32 @!p0 $0x1;
	_ =	shalt  }
.Lfunc_end2:
_tile_overlayer_lowered:
.L_overlay_start_2:
0x275: {  	(tag) =	ssettag $0x2  }
0x276: {  	s0 =	rddreg [dreg:$0x0];
	s2 =	stileid.u32  }
0x277: {  	s1 =	rddreg [dreg:$0x1];
	p0 =	sne.s32 s2, $0x0  }
0x278: {  	s3 =	rddreg [dreg:$0x2];
	[bflag:$0x3] =	sbarrier.arrive $0xFFFF;
	s2 =	simm.s32 @!p0 $0x1C06  }
0x279: {  	[timem:s3], [sflag:s2] =	dma.local @!p0 [hbm:s0], s1  }
0x27a: {  	s0 =	simm.s32 @!p0 $0x6  }
0x27b: {  	_ =	swait.ge @!p0 [sflag:s0], s1  }
0x27c: {  	s1 =	ssub.s32 @!p0 $0x0, s1;
	[sflag:s0] =	ssyncset.done @!p0 $0x0  }
0x27d: {  	[sflag:s0] =	ssyncadd.s32 @!p0 s1  }
0x27e: {  	[bflag:$0x3] =	sbarrier.arrive $0xFFFF  }
0x27f: {  	_ =	shalt  }

</sc_bundles>
